<compile_context>
chip_gen: v7x
topology: tpu7x:2x2x1
jax: 0.10.2.dev20260603
libtpu: 0.0.44.dev20260713+nightly
codegen_flags: <defaults>
</compile_context>

<pallas_src>
import jax
import jax.numpy as jnp
from jax import lax
from jax.experimental import pallas as pl
from jax.experimental.pallas import tpu as pltpu
from jax.experimental.pallas import tpu_sc as plsc

_NC = 2
_NS = 16
_NW = _NC * _NS

_N_IDX = 4096 * 200
_D = 32
_D_PAD = 128
_PER_W = _N_IDX // _NW
_CHUNK = 512
_N_CHUNK = _PER_W // _CHUNK


_NBUF = 5


def _gather_body(idx_hbm, tab_hbm, out_hbm, idx_v, rows_v, *sems):
    gsems = sems[:_NBUF]
    wsems = sems[_NBUF:]
    wid = lax.axis_index("s") * _NC + lax.axis_index("c")
    base = wid * _PER_W
    pltpu.sync_copy(idx_hbm.at[pl.ds(base, _PER_W)], idx_v)

    def start_gather(j, b):
        pltpu.async_copy(
            tab_hbm.at[idx_v.at[pl.ds(j * _CHUNK, _CHUNK)]],
            rows_v.at[b], gsems[b],
        )

    def wait_write(b):
        pltpu.make_async_copy(
            rows_v.at[b], out_hbm.at[pl.ds(base, _CHUNK), pl.ds(0, _D)], wsems[b]
        ).wait()

    for j in range(_NBUF - 1):
        start_gather(j, j)

    @pl.loop(0, _N_CHUNK, step=_NBUF)
    def _grp(j0):
        for b in range(_NBUF):
            j = j0 + b
            nb = (b + _NBUF - 1) % _NBUF

            @pl.when(j + _NBUF - 1 < _N_CHUNK)
            def _():

                @pl.when(j >= 1)
                def _():
                    wait_write(nb)

                start_gather(j + _NBUF - 1, nb)

            pltpu.make_async_copy(
                tab_hbm.at[idx_v.at[pl.ds(0, _CHUNK)]],
                rows_v.at[b], gsems[b],
            ).wait()
            pltpu.async_copy(
                rows_v.at[b],
                out_hbm.at[pl.ds(base + j * _CHUNK, _CHUNK), pl.ds(0, _D)],
                wsems[b],
            )

    for j in range(_N_CHUNK - _NBUF, _N_CHUNK):
        wait_write(j % _NBUF)


def kernel(control_tokens, embedding_table):
    b, h = control_tokens.shape
    _, d = embedding_table.shape
    idx = control_tokens.reshape(-1).astype(jnp.int32)

    mesh = plsc.VectorSubcoreMesh(
        core_axis_name="c", subcore_axis_name="s",
        num_cores=_NC, num_subcores=_NS,
    )
    run = pl.kernel(
        _gather_body,
        out_type=jax.ShapeDtypeStruct((_N_IDX, _D_PAD), jnp.float32),
        mesh=mesh,
        scratch_types=[
            pltpu.VMEM((_PER_W,), jnp.int32),
            pltpu.VMEM((_NBUF, _CHUNK, d), jnp.float32),
        ] + [pltpu.SemaphoreType.DMA] * (2 * _NBUF),
        compiler_params=pltpu.CompilerParams(use_tc_tiling_on_sc=False),
    )
    out = run(idx, embedding_table)
    return out[:, :d].reshape(b, h, d)

# --- scband reference (transcript-rebuilt; emitter-appended) ---
"""Pipeline reference for scband-control-encoder-78357383348437 (READ-ONLY COPY).

The authoritative reference and input builder live on the scoring server;
editing this copy changes nothing except your own understanding.
"""

import jax, jax.numpy as jnp
import numpy as np

VOCAB = 1000000
EMBED_DIM = 32
BATCH = 4096
HIST = 200

def setup_inputs(seed: int = 0) -> dict:
    key = jax.random.key(seed)
    k_idx, k_tab = jax.random.split(key)
    control_tokens = jax.random.randint(k_idx, (BATCH, HIST), 0, VOCAB, dtype=jnp.int64 if jax.config.jax_enable_x64 else jnp.int32)
    embedding_table = jax.random.normal(k_tab, (VOCAB, EMBED_DIM), dtype=jnp.float32)
    return {"control_tokens": control_tokens, "embedding_table": embedding_table}

def reference(control_tokens, embedding_table):
    # nn.Embedding forward: row gather from the table
    return jnp.take(embedding_table, control_tokens, axis=0)

if __name__ == "__main__":
    import jax
    _d = setup_inputs()
    print(jax.jit(kernel)(*tuple(_d.values())))

</pallas_src>

<mosaic_0001>
#map = affine_map<(d0, d1) -> (0)>
#map1 = affine_map<(d0, d1) -> (0, 0)>
module attributes {stable_mosaic.version = 14 : i64} {
  func.func @_gather_body(%arg0: i32, %arg1: i32, %arg2: memref<819200xi32, #tpu.memory_space<hbm>>, %arg3: memref<1000000x32xf32, #tpu.memory_space<hbm>>, %arg4: memref<819200x128xf32, #tpu.memory_space<hbm>>, %arg5: memref<25600xi32, #tpu.memory_space<vmem>>, %arg6: memref<5x512x32xf32, #tpu.memory_space<vmem>>, %arg7: memref<!tpu.dma_semaphore, #tpu.memory_space<semaphore_mem>>, %arg8: memref<!tpu.dma_semaphore, #tpu.memory_space<semaphore_mem>>, %arg9: memref<!tpu.dma_semaphore, #tpu.memory_space<semaphore_mem>>, %arg10: memref<!tpu.dma_semaphore, #tpu.memory_space<semaphore_mem>>, %arg11: memref<!tpu.dma_semaphore, #tpu.memory_space<semaphore_mem>>, %arg12: memref<!tpu.dma_semaphore, #tpu.memory_space<semaphore_mem>>, %arg13: memref<!tpu.dma_semaphore, #tpu.memory_space<semaphore_mem>>, %arg14: memref<!tpu.dma_semaphore, #tpu.memory_space<semaphore_mem>>, %arg15: memref<!tpu.dma_semaphore, #tpu.memory_space<semaphore_mem>>, %arg16: memref<!tpu.dma_semaphore, #tpu.memory_space<semaphore_mem>>) attributes {dimension_semantics = [#tpu.dimension_semantics<core_parallel>, #tpu.dimension_semantics<subcore_parallel>], iteration_bounds = array<i64: 2, 16>, scalar_prefetch = 0 : i64, scratch_operands = 12 : i64, tpu.core_type = #tpu.core_type<sc_vector_subcore>, window_params = [{transform_indices = #map}, {transform_indices = #map1}, {transform_indices = #map1}]} {
    %mul3A = arith.constant 2 : i32
    %mul3A_0 = arith.muli %arg1, %mul3A : i32
    %add3A = arith.addi %mul3A_0, %arg0 : i32
    %mul3A_1 = arith.constant 25600 : i32
    %mul3A_2 = arith.muli %add3A, %mul3A_1 : i32
    "tpu.region"() ({
      %run_scoped3A = tpu.sem_alloc : memref<!tpu.dma_semaphore, #tpu.memory_space<semaphore_mem>>
      %dma_start3A_110 = tpu.memref_slice %arg2[%mul3A_2] : memref<819200xi32, #tpu.memory_space<hbm>> -> memref<25600xi32, #tpu.memory_space<hbm>>
      %dma_start3A_111 = tpu.memref_slice %arg2[%mul3A_2] : memref<819200xi32, #tpu.memory_space<hbm>> -> memref<25600xi32, #tpu.memory_space<hbm>>
      tpu.enqueue_dma source(%dma_start3A_111 : memref<25600xi32, #tpu.memory_space<hbm>>) target(%arg5 : memref<25600xi32, #tpu.memory_space<vmem>>) target_semaphore(%run_scoped3A : memref<!tpu.dma_semaphore, #tpu.memory_space<semaphore_mem>>)
      %dma_wait3A_112 = tpu.memref_slice %arg2[%mul3A_2] : memref<819200xi32, #tpu.memory_space<hbm>> -> memref<25600xi32, #tpu.memory_space<hbm>>
      %dma_wait3A_113 = tpu.memref_slice %arg2[%mul3A_2] : memref<819200xi32, #tpu.memory_space<hbm>> -> memref<25600xi32, #tpu.memory_space<hbm>>
      tpu.wait_dma2 semaphore(%run_scoped3A : memref<!tpu.dma_semaphore, #tpu.memory_space<semaphore_mem>>) src(%dma_wait3A_113 : memref<25600xi32, #tpu.memory_space<hbm>>) dst(%arg5 : memref<25600xi32, #tpu.memory_space<vmem>>)
      tpu.yield
    }) : () -> ()
    %dma_start3A = arith.constant 0 : i32
    %dma_start3A_3 = arith.constant 0 : i32
    %dma_start3A_4 = arith.constant 0 : i32
    %dma_start3A_5 = tpu.memref_slice %arg6[%dma_start3A, %dma_start3A_3, %dma_start3A_4] : memref<5x512x32xf32, #tpu.memory_space<vmem>> -> memref<1x512x32xf32, #tpu.memory_space<vmem>>
    %dma_start3A_6 = tpu.memref_squeeze %dma_start3A_5 : memref<1x512x32xf32, #tpu.memory_space<vmem>> -> memref<512x32xf32, #tpu.memory_space<vmem>>
    %dma_start3A_7 = arith.constant 0 : i32
    %dma_start3A_8 = tpu.memref_slice %arg5[%dma_start3A_7] : memref<25600xi32, #tpu.memory_space<vmem>> -> memref<512xi32, #tpu.memory_space<vmem>>
    %dma_start3A_9 = arith.constant 0 : i32
    %dma_start3A_10 = arith.constant 0 : i32
    %dma_start3A_11 = tpu.memref_slice %arg3[%dma_start3A_9, %dma_start3A_10] : memref<1000000x32xf32, #tpu.memory_space<hbm>> -> memref<1000000x32xf32, #tpu.memory_space<hbm>>
    tpu.enqueue_indirect_dma source(%dma_start3A_11 : memref<1000000x32xf32, #tpu.memory_space<hbm>>) target(%dma_start3A_6 : memref<512x32xf32, #tpu.memory_space<vmem>>) offsets(%dma_start3A_8 : memref<512xi32, #tpu.memory_space<vmem>>) semaphore(%arg7 : memref<!tpu.dma_semaphore, #tpu.memory_space<semaphore_mem>>)
    %dma_start3A_12 = arith.constant 1 : i32
    %dma_start3A_13 = arith.constant 0 : i32
    %dma_start3A_14 = arith.constant 0 : i32
    %dma_start3A_15 = tpu.memref_slice %arg6[%dma_start3A_12, %dma_start3A_13, %dma_start3A_14] : memref<5x512x32xf32, #tpu.memory_space<vmem>> -> memref<1x512x32xf32, #tpu.memory_space<vmem>>
    %dma_start3A_16 = tpu.memref_squeeze %dma_start3A_15 : memref<1x512x32xf32, #tpu.memory_space<vmem>> -> memref<512x32xf32, #tpu.memory_space<vmem>>
    %dma_start3A_17 = arith.constant 512 : i32
    %dma_start3A_18 = tpu.memref_slice %arg5[%dma_start3A_17] : memref<25600xi32, #tpu.memory_space<vmem>> -> memref<512xi32, #tpu.memory_space<vmem>>
    %dma_start3A_19 = arith.constant 0 : i32
    %dma_start3A_20 = arith.constant 0 : i32
    %dma_start3A_21 = tpu.memref_slice %arg3[%dma_start3A_19, %dma_start3A_20] : memref<1000000x32xf32, #tpu.memory_space<hbm>> -> memref<1000000x32xf32, #tpu.memory_space<hbm>>
    tpu.enqueue_indirect_dma source(%dma_start3A_21 : memref<1000000x32xf32, #tpu.memory_space<hbm>>) target(%dma_start3A_16 : memref<512x32xf32, #tpu.memory_space<vmem>>) offsets(%dma_start3A_18 : memref<512xi32, #tpu.memory_space<vmem>>) semaphore(%arg8 : memref<!tpu.dma_semaphore, #tpu.memory_space<semaphore_mem>>)
    %dma_start3A_22 = arith.constant 2 : i32
    %dma_start3A_23 = arith.constant 0 : i32
    %dma_start3A_24 = arith.constant 0 : i32
    %dma_start3A_25 = tpu.memref_slice %arg6[%dma_start3A_22, %dma_start3A_23, %dma_start3A_24] : memref<5x512x32xf32, #tpu.memory_space<vmem>> -> memref<1x512x32xf32, #tpu.memory_space<vmem>>
    %dma_start3A_26 = tpu.memref_squeeze %dma_start3A_25 : memref<1x512x32xf32, #tpu.memory_space<vmem>> -> memref<512x32xf32, #tpu.memory_space<vmem>>
    %dma_start3A_27 = arith.constant 1024 : i32
    %dma_start3A_28 = tpu.memref_slice %arg5[%dma_start3A_27] : memref<25600xi32, #tpu.memory_space<vmem>> -> memref<512xi32, #tpu.memory_space<vmem>>
    %dma_start3A_29 = arith.constant 0 : i32
    %dma_start3A_30 = arith.constant 0 : i32
    %dma_start3A_31 = tpu.memref_slice %arg3[%dma_start3A_29, %dma_start3A_30] : memref<1000000x32xf32, #tpu.memory_space<hbm>> -> memref<1000000x32xf32, #tpu.memory_space<hbm>>
    tpu.enqueue_indirect_dma source(%dma_start3A_31 : memref<1000000x32xf32, #tpu.memory_space<hbm>>) target(%dma_start3A_26 : memref<512x32xf32, #tpu.memory_space<vmem>>) offsets(%dma_start3A_28 : memref<512xi32, #tpu.memory_space<vmem>>) semaphore(%arg9 : memref<!tpu.dma_semaphore, #tpu.memory_space<semaphore_mem>>)
    %dma_start3A_32 = arith.constant 3 : i32
    %dma_start3A_33 = arith.constant 0 : i32
    %dma_start3A_34 = arith.constant 0 : i32
    %dma_start3A_35 = tpu.memref_slice %arg6[%dma_start3A_32, %dma_start3A_33, %dma_start3A_34] : memref<5x512x32xf32, #tpu.memory_space<vmem>> -> memref<1x512x32xf32, #tpu.memory_space<vmem>>
    %dma_start3A_36 = tpu.memref_squeeze %dma_start3A_35 : memref<1x512x32xf32, #tpu.memory_space<vmem>> -> memref<512x32xf32, #tpu.memory_space<vmem>>
    %dma_start3A_37 = arith.constant 1536 : i32
    %dma_start3A_38 = tpu.memref_slice %arg5[%dma_start3A_37] : memref<25600xi32, #tpu.memory_space<vmem>> -> memref<512xi32, #tpu.memory_space<vmem>>
    %dma_start3A_39 = arith.constant 0 : i32
    %dma_start3A_40 = arith.constant 0 : i32
    %dma_start3A_41 = tpu.memref_slice %arg3[%dma_start3A_39, %dma_start3A_40] : memref<1000000x32xf32, #tpu.memory_space<hbm>> -> memref<1000000x32xf32, #tpu.memory_space<hbm>>
    tpu.enqueue_indirect_dma source(%dma_start3A_41 : memref<1000000x32xf32, #tpu.memory_space<hbm>>) target(%dma_start3A_36 : memref<512x32xf32, #tpu.memory_space<vmem>>) offsets(%dma_start3A_38 : memref<512xi32, #tpu.memory_space<vmem>>) semaphore(%arg10 : memref<!tpu.dma_semaphore, #tpu.memory_space<semaphore_mem>>)
    %scan3A = arith.constant 0 : i32
    %scan3A_42 = arith.constant 10 : i32
    %scan3A_43 = arith.addi %scan3A, %scan3A_42 : i32
    %scan3A_44 = arith.constant 1 : i32
    scf.for %scan3A_110 = %scan3A to %scan3A_43 step %scan3A_44  : i32 {
      %mul3A_111 = arith.constant 5 : i32
      %mul3A_112 = arith.muli %scan3A_110, %mul3A_111 : i32
      %add3A_113 = arith.constant 0 : i32
      %add3A_114 = arith.addi %add3A_113, %mul3A_112 : i32
      %add3A_115 = arith.constant 0 : i32
      %add3A_116 = arith.addi %add3A_114, %add3A_115 : i32
      %add3A_117 = arith.constant 5 : i32
      %add3A_118 = arith.addi %add3A_116, %add3A_117 : i32
      %sub3A = arith.constant 1 : i32
      %sub3A_119 = arith.subi %add3A_118, %sub3A : i32
      %lt3A = arith.constant 50 : i32
      %lt3A_120 = arith.cmpi slt, %sub3A_119, %lt3A : i32
      %convert_element_type3A = arith.extui %lt3A_120 : i1 to i32
      %cond3A = arith.constant 0 : i32
      %cond3A_121 = arith.cmpi ne, %convert_element_type3A, %cond3A : i32
      scf.if %cond3A_121 {
        %ge3A = arith.constant 1 : i32
        %ge3A_296 = arith.cmpi sge, %add3A_116, %ge3A : i32
        %convert_element_type3A_297 = arith.extui %ge3A_296 : i1 to i32
        %cond3A_298 = arith.constant 0 : i32
        %cond3A_299 = arith.cmpi ne, %convert_element_type3A_297, %cond3A_298 : i32
        scf.if %cond3A_299 {
          %dma_wait3A_315 = arith.constant 4 : i32
          %dma_wait3A_316 = arith.constant 0 : i32
          %dma_wait3A_317 = arith.constant 0 : i32
          %dma_wait3A_318 = tpu.memref_slice %arg6[%dma_wait3A_315, %dma_wait3A_316, %dma_wait3A_317] : memref<5x512x32xf32, #tpu.memory_space<vmem>> -> memref<1x512x32xf32, #tpu.memory_space<vmem>>
          %dma_wait3A_319 = tpu.memref_squeeze %dma_wait3A_318 : memref<1x512x32xf32, #tpu.memory_space<vmem>> -> memref<512x32xf32, #tpu.memory_space<vmem>>
          %dma_wait3A_320 = arith.constant 0 : i32
          %dma_wait3A_321 = tpu.memref_slice %arg4[%mul3A_2, %dma_wait3A_320] : memref<819200x128xf32, #tpu.memory_space<hbm>> -> memref<512x32xf32, #tpu.memory_space<hbm>>
          %dma_wait3A_322 = arith.constant 0 : i32
          %dma_wait3A_323 = tpu.memref_slice %arg4[%mul3A_2, %dma_wait3A_322] : memref<819200x128xf32, #tpu.memory_space<hbm>> -> memref<512x32xf32, #tpu.memory_space<hbm>>
          %dma_wait3A_324 = arith.constant 0 : i32
          %dma_wait3A_325 = arith.constant 0 : i32
          %dma_wait3A_326 = tpu.memref_slice %arg6[%dma_wait3A_315, %dma_wait3A_324, %dma_wait3A_325] : memref<5x512x32xf32, #tpu.memory_space<vmem>> -> memref<1x512x32xf32, #tpu.memory_space<vmem>>
          %dma_wait3A_327 = tpu.memref_squeeze %dma_wait3A_326 : memref<1x512x32xf32, #tpu.memory_space<vmem>> -> memref<512x32xf32, #tpu.memory_space<vmem>>
          tpu.wait_dma2 semaphore(%arg16 : memref<!tpu.dma_semaphore, #tpu.memory_space<semaphore_mem>>) src(%dma_wait3A_327 : memref<512x32xf32, #tpu.memory_space<vmem>>) dst(%dma_wait3A_323 : memref<512x32xf32, #tpu.memory_space<hbm>>)
        } else {
        }
        %add3A_300 = arith.constant 5 : i32
        %add3A_301 = arith.addi %add3A_116, %add3A_300 : i32
        %sub3A_302 = arith.constant 1 : i32
        %sub3A_303 = arith.subi %add3A_301, %sub3A_302 : i32
        %mul3A_304 = arith.constant 512 : i32
        %mul3A_305 = arith.muli %sub3A_303, %mul3A_304 : i32
        %dma_start3A_306 = arith.constant 4 : i32
        %dma_start3A_307 = arith.constant 0 : i32
        %dma_start3A_308 = arith.constant 0 : i32
        %dma_start3A_309 = tpu.memref_slice %arg6[%dma_start3A_306, %dma_start3A_307, %dma_start3A_308] : memref<5x512x32xf32, #tpu.memory_space<vmem>> -> memref<1x512x32xf32, #tpu.memory_space<vmem>>
        %dma_start3A_310 = tpu.memref_squeeze %dma_start3A_309 : memref<1x512x32xf32, #tpu.memory_space<vmem>> -> memref<512x32xf32, #tpu.memory_space<vmem>>
        %dma_start3A_311 = tpu.memref_slice %arg5[%mul3A_305] : memref<25600xi32, #tpu.memory_space<vmem>> -> memref<512xi32, #tpu.memory_space<vmem>>
        %dma_start3A_312 = arith.constant 0 : i32
        %dma_start3A_313 = arith.constant 0 : i32
        %dma_start3A_314 = tpu.memref_slice %arg3[%dma_start3A_312, %dma_start3A_313] : memref<1000000x32xf32, #tpu.memory_space<hbm>> -> memref<1000000x32xf32, #tpu.memory_space<hbm>>
        tpu.enqueue_indirect_dma source(%dma_start3A_314 : memref<1000000x32xf32, #tpu.memory_space<hbm>>) target(%dma_start3A_310 : memref<512x32xf32, #tpu.memory_space<vmem>>) offsets(%dma_start3A_311 : memref<512xi32, #tpu.memory_space<vmem>>) semaphore(%arg11 : memref<!tpu.dma_semaphore, #tpu.memory_space<semaphore_mem>>)
      } else {
      }
      %dma_wait3A_122 = arith.constant 0 : i32
      %dma_wait3A_123 = arith.constant 0 : i32
      %dma_wait3A_124 = arith.constant 0 : i32
      %dma_wait3A_125 = tpu.memref_slice %arg6[%dma_wait3A_122, %dma_wait3A_123, %dma_wait3A_124] : memref<5x512x32xf32, #tpu.memory_space<vmem>> -> memref<1x512x32xf32, #tpu.memory_space<vmem>>
      %dma_wait3A_126 = tpu.memref_squeeze %dma_wait3A_125 : memref<1x512x32xf32, #tpu.memory_space<vmem>> -> memref<512x32xf32, #tpu.memory_space<vmem>>
      %dma_wait3A_127 = arith.constant 0 : i32
      %dma_wait3A_128 = tpu.memref_slice %arg5[%dma_wait3A_127] : memref<25600xi32, #tpu.memory_space<vmem>> -> memref<512xi32, #tpu.memory_space<vmem>>
      %dma_wait3A_129 = arith.constant 0 : i32
      %dma_wait3A_130 = arith.constant 0 : i32
      %dma_wait3A_131 = tpu.memref_slice %arg3[%dma_wait3A_129, %dma_wait3A_130] : memref<1000000x32xf32, #tpu.memory_space<hbm>> -> memref<1000000x32xf32, #tpu.memory_space<hbm>>
      tpu.wait_indirect_dma semaphore(%arg7 : memref<!tpu.dma_semaphore, #tpu.memory_space<semaphore_mem>>) src(%dma_wait3A_131 : memref<1000000x32xf32, #tpu.memory_space<hbm>>) dst(%dma_wait3A_126 : memref<512x32xf32, #tpu.memory_space<vmem>>)
      %mul3A_132 = arith.constant 512 : i32
      %mul3A_133 = arith.muli %add3A_116, %mul3A_132 : i32
      %add3A_134 = arith.addi %mul3A_2, %mul3A_133 : i32
      %dma_start3A_135 = arith.constant 0 : i32
      %dma_start3A_136 = arith.constant 0 : i32
      %dma_start3A_137 = arith.constant 0 : i32
      %dma_start3A_138 = tpu.memref_slice %arg6[%dma_start3A_135, %dma_start3A_136, %dma_start3A_137] : memref<5x512x32xf32, #tpu.memory_space<vmem>> -> memref<1x512x32xf32, #tpu.memory_space<vmem>>
      %dma_start3A_139 = tpu.memref_squeeze %dma_start3A_138 : memref<1x512x32xf32, #tpu.memory_space<vmem>> -> memref<512x32xf32, #tpu.memory_space<vmem>>
      %dma_start3A_140 = arith.constant 0 : i32
      %dma_start3A_141 = tpu.memref_slice %arg4[%add3A_134, %dma_start3A_140] : memref<819200x128xf32, #tpu.memory_space<hbm>> -> memref<512x32xf32, #tpu.memory_space<hbm>>
      %dma_start3A_142 = arith.constant 0 : i32
      %dma_start3A_143 = tpu.memref_slice %arg4[%add3A_134, %dma_start3A_142] : memref<819200x128xf32, #tpu.memory_space<hbm>> -> memref<512x32xf32, #tpu.memory_space<hbm>>
      %dma_start3A_144 = arith.constant 0 : i32
      %dma_start3A_145 = arith.constant 0 : i32
      %dma_start3A_146 = tpu.memref_slice %arg6[%dma_start3A_135, %dma_start3A_144, %dma_start3A_145] : memref<5x512x32xf32, #tpu.memory_space<vmem>> -> memref<1x512x32xf32, #tpu.memory_space<vmem>>
      %dma_start3A_147 = tpu.memref_squeeze %dma_start3A_146 : memref<1x512x32xf32, #tpu.memory_space<vmem>> -> memref<512x32xf32, #tpu.memory_space<vmem>>
      tpu.enqueue_dma source(%dma_start3A_147 : memref<512x32xf32, #tpu.memory_space<vmem>>) target(%dma_start3A_143 : memref<512x32xf32, #tpu.memory_space<hbm>>) target_semaphore(%arg12 : memref<!tpu.dma_semaphore, #tpu.memory_space<semaphore_mem>>)
      %add3A_148 = arith.constant 1 : i32
      %add3A_149 = arith.addi %add3A_114, %add3A_148 : i32
      %add3A_150 = arith.constant 5 : i32
      %add3A_151 = arith.addi %add3A_149, %add3A_150 : i32
      %sub3A_152 = arith.constant 1 : i32
      %sub3A_153 = arith.subi %add3A_151, %sub3A_152 : i32
      %lt3A_154 = arith.constant 50 : i32
      %lt3A_155 = arith.cmpi slt, %sub3A_153, %lt3A_154 : i32
      %convert_element_type3A_156 = arith.extui %lt3A_155 : i1 to i32
      %cond3A_157 = arith.constant 0 : i32
      %cond3A_158 = arith.cmpi ne, %convert_element_type3A_156, %cond3A_157 : i32
      scf.if %cond3A_158 {
        %ge3A = arith.constant 1 : i32
        %ge3A_296 = arith.cmpi sge, %add3A_149, %ge3A : i32
        %convert_element_type3A_297 = arith.extui %ge3A_296 : i1 to i32
        %cond3A_298 = arith.constant 0 : i32
        %cond3A_299 = arith.cmpi ne, %convert_element_type3A_297, %cond3A_298 : i32
        scf.if %cond3A_299 {
          %dma_wait3A_315 = arith.constant 0 : i32
          %dma_wait3A_316 = arith.constant 0 : i32
          %dma_wait3A_317 = arith.constant 0 : i32
          %dma_wait3A_318 = tpu.memref_slice %arg6[%dma_wait3A_315, %dma_wait3A_316, %dma_wait3A_317] : memref<5x512x32xf32, #tpu.memory_space<vmem>> -> memref<1x512x32xf32, #tpu.memory_space<vmem>>
          %dma_wait3A_319 = tpu.memref_squeeze %dma_wait3A_318 : memref<1x512x32xf32, #tpu.memory_space<vmem>> -> memref<512x32xf32, #tpu.memory_space<vmem>>
          %dma_wait3A_320 = arith.constant 0 : i32
          %dma_wait3A_321 = tpu.memref_slice %arg4[%mul3A_2, %dma_wait3A_320] : memref<819200x128xf32, #tpu.memory_space<hbm>> -> memref<512x32xf32, #tpu.memory_space<hbm>>
          %dma_wait3A_322 = arith.constant 0 : i32
          %dma_wait3A_323 = tpu.memref_slice %arg4[%mul3A_2, %dma_wait3A_322] : memref<819200x128xf32, #tpu.memory_space<hbm>> -> memref<512x32xf32, #tpu.memory_space<hbm>>
          %dma_wait3A_324 = arith.constant 0 : i32
          %dma_wait3A_325 = arith.constant 0 : i32
          %dma_wait3A_326 = tpu.memref_slice %arg6[%dma_wait3A_315, %dma_wait3A_324, %dma_wait3A_325] : memref<5x512x32xf32, #tpu.memory_space<vmem>> -> memref<1x512x32xf32, #tpu.memory_space<vmem>>
          %dma_wait3A_327 = tpu.memref_squeeze %dma_wait3A_326 : memref<1x512x32xf32, #tpu.memory_space<vmem>> -> memref<512x32xf32, #tpu.memory_space<vmem>>
          tpu.wait_dma2 semaphore(%arg12 : memref<!tpu.dma_semaphore, #tpu.memory_space<semaphore_mem>>) src(%dma_wait3A_327 : memref<512x32xf32, #tpu.memory_space<vmem>>) dst(%dma_wait3A_323 : memref<512x32xf32, #tpu.memory_space<hbm>>)
        } else {
        }
        %add3A_300 = arith.constant 5 : i32
        %add3A_301 = arith.addi %add3A_149, %add3A_300 : i32
        %sub3A_302 = arith.constant 1 : i32
        %sub3A_303 = arith.subi %add3A_301, %sub3A_302 : i32
        %mul3A_304 = arith.constant 512 : i32
        %mul3A_305 = arith.muli %sub3A_303, %mul3A_304 : i32
        %dma_start3A_306 = arith.constant 0 : i32
        %dma_start3A_307 = arith.constant 0 : i32
        %dma_start3A_308 = arith.constant 0 : i32
        %dma_start3A_309 = tpu.memref_slice %arg6[%dma_start3A_306, %dma_start3A_307, %dma_start3A_308] : memref<5x512x32xf32, #tpu.memory_space<vmem>> -> memref<1x512x32xf32, #tpu.memory_space<vmem>>
        %dma_start3A_310 = tpu.memref_squeeze %dma_start3A_309 : memref<1x512x32xf32, #tpu.memory_space<vmem>> -> memref<512x32xf32, #tpu.memory_space<vmem>>
        %dma_start3A_311 = tpu.memref_slice %arg5[%mul3A_305] : memref<25600xi32, #tpu.memory_space<vmem>> -> memref<512xi32, #tpu.memory_space<vmem>>
        %dma_start3A_312 = arith.constant 0 : i32
        %dma_start3A_313 = arith.constant 0 : i32
        %dma_start3A_314 = tpu.memref_slice %arg3[%dma_start3A_312, %dma_start3A_313] : memref<1000000x32xf32, #tpu.memory_space<hbm>> -> memref<1000000x32xf32, #tpu.memory_space<hbm>>
        tpu.enqueue_indirect_dma source(%dma_start3A_314 : memref<1000000x32xf32, #tpu.memory_space<hbm>>) target(%dma_start3A_310 : memref<512x32xf32, #tpu.memory_space<vmem>>) offsets(%dma_start3A_311 : memref<512xi32, #tpu.memory_space<vmem>>) semaphore(%arg7 : memref<!tpu.dma_semaphore, #tpu.memory_space<semaphore_mem>>)
      } else {
      }
      %dma_wait3A_159 = arith.constant 1 : i32
      %dma_wait3A_160 = arith.constant 0 : i32
      %dma_wait3A_161 = arith.constant 0 : i32
      %dma_wait3A_162 = tpu.memref_slice %arg6[%dma_wait3A_159, %dma_wait3A_160, %dma_wait3A_161] : memref<5x512x32xf32, #tpu.memory_space<vmem>> -> memref<1x512x32xf32, #tpu.memory_space<vmem>>
      %dma_wait3A_163 = tpu.memref_squeeze %dma_wait3A_162 : memref<1x512x32xf32, #tpu.memory_space<vmem>> -> memref<512x32xf32, #tpu.memory_space<vmem>>
      %dma_wait3A_164 = arith.constant 0 : i32
      %dma_wait3A_165 = tpu.memref_slice %arg5[%dma_wait3A_164] : memref<25600xi32, #tpu.memory_space<vmem>> -> memref<512xi32, #tpu.memory_space<vmem>>
      %dma_wait3A_166 = arith.constant 0 : i32
      %dma_wait3A_167 = arith.constant 0 : i32
      %dma_wait3A_168 = tpu.memref_slice %arg3[%dma_wait3A_166, %dma_wait3A_167] : memref<1000000x32xf32, #tpu.memory_space<hbm>> -> memref<1000000x32xf32, #tpu.memory_space<hbm>>
      tpu.wait_indirect_dma semaphore(%arg8 : memref<!tpu.dma_semaphore, #tpu.memory_space<semaphore_mem>>) src(%dma_wait3A_168 : memref<1000000x32xf32, #tpu.memory_space<hbm>>) dst(%dma_wait3A_163 : memref<512x32xf32, #tpu.memory_space<vmem>>)
      %mul3A_169 = arith.constant 512 : i32
      %mul3A_170 = arith.muli %add3A_149, %mul3A_169 : i32
      %add3A_171 = arith.addi %mul3A_2, %mul3A_170 : i32
      %dma_start3A_172 = arith.constant 1 : i32
      %dma_start3A_173 = arith.constant 0 : i32
      %dma_start3A_174 = arith.constant 0 : i32
      %dma_start3A_175 = tpu.memref_slice %arg6[%dma_start3A_172, %dma_start3A_173, %dma_start3A_174] : memref<5x512x32xf32, #tpu.memory_space<vmem>> -> memref<1x512x32xf32, #tpu.memory_space<vmem>>
      %dma_start3A_176 = tpu.memref_squeeze %dma_start3A_175 : memref<1x512x32xf32, #tpu.memory_space<vmem>> -> memref<512x32xf32, #tpu.memory_space<vmem>>
      %dma_start3A_177 = arith.constant 0 : i32
      %dma_start3A_178 = tpu.memref_slice %arg4[%add3A_171, %dma_start3A_177] : memref<819200x128xf32, #tpu.memory_space<hbm>> -> memref<512x32xf32, #tpu.memory_space<hbm>>
      %dma_start3A_179 = arith.constant 0 : i32
      %dma_start3A_180 = tpu.memref_slice %arg4[%add3A_171, %dma_start3A_179] : memref<819200x128xf32, #tpu.memory_space<hbm>> -> memref<512x32xf32, #tpu.memory_space<hbm>>
      %dma_start3A_181 = arith.constant 0 : i32
      %dma_start3A_182 = arith.constant 0 : i32
      %dma_start3A_183 = tpu.memref_slice %arg6[%dma_start3A_172, %dma_start3A_181, %dma_start3A_182] : memref<5x512x32xf32, #tpu.memory_space<vmem>> -> memref<1x512x32xf32, #tpu.memory_space<vmem>>
      %dma_start3A_184 = tpu.memref_squeeze %dma_start3A_183 : memref<1x512x32xf32, #tpu.memory_space<vmem>> -> memref<512x32xf32, #tpu.memory_space<vmem>>
      tpu.enqueue_dma source(%dma_start3A_184 : memref<512x32xf32, #tpu.memory_space<vmem>>) target(%dma_start3A_180 : memref<512x32xf32, #tpu.memory_space<hbm>>) target_semaphore(%arg13 : memref<!tpu.dma_semaphore, #tpu.memory_space<semaphore_mem>>)
      %add3A_185 = arith.constant 2 : i32
      %add3A_186 = arith.addi %add3A_114, %add3A_185 : i32
      %add3A_187 = arith.constant 5 : i32
      %add3A_188 = arith.addi %add3A_186, %add3A_187 : i32
      %sub3A_189 = arith.constant 1 : i32
      %sub3A_190 = arith.subi %add3A_188, %sub3A_189 : i32
      %lt3A_191 = arith.constant 50 : i32
      %lt3A_192 = arith.cmpi slt, %sub3A_190, %lt3A_191 : i32
      %convert_element_type3A_193 = arith.extui %lt3A_192 : i1 to i32
      %cond3A_194 = arith.constant 0 : i32
      %cond3A_195 = arith.cmpi ne, %convert_element_type3A_193, %cond3A_194 : i32
      scf.if %cond3A_195 {
        %ge3A = arith.constant 1 : i32
        %ge3A_296 = arith.cmpi sge, %add3A_186, %ge3A : i32
        %convert_element_type3A_297 = arith.extui %ge3A_296 : i1 to i32
        %cond3A_298 = arith.constant 0 : i32
        %cond3A_299 = arith.cmpi ne, %convert_element_type3A_297, %cond3A_298 : i32
        scf.if %cond3A_299 {
          %dma_wait3A_315 = arith.constant 1 : i32
          %dma_wait3A_316 = arith.constant 0 : i32
          %dma_wait3A_317 = arith.constant 0 : i32
          %dma_wait3A_318 = tpu.memref_slice %arg6[%dma_wait3A_315, %dma_wait3A_316, %dma_wait3A_317] : memref<5x512x32xf32, #tpu.memory_space<vmem>> -> memref<1x512x32xf32, #tpu.memory_space<vmem>>
          %dma_wait3A_319 = tpu.memref_squeeze %dma_wait3A_318 : memref<1x512x32xf32, #tpu.memory_space<vmem>> -> memref<512x32xf32, #tpu.memory_space<vmem>>
          %dma_wait3A_320 = arith.constant 0 : i32
          %dma_wait3A_321 = tpu.memref_slice %arg4[%mul3A_2, %dma_wait3A_320] : memref<819200x128xf32, #tpu.memory_space<hbm>> -> memref<512x32xf32, #tpu.memory_space<hbm>>
          %dma_wait3A_322 = arith.constant 0 : i32
          %dma_wait3A_323 = tpu.memref_slice %arg4[%mul3A_2, %dma_wait3A_322] : memref<819200x128xf32, #tpu.memory_space<hbm>> -> memref<512x32xf32, #tpu.memory_space<hbm>>
          %dma_wait3A_324 = arith.constant 0 : i32
          %dma_wait3A_325 = arith.constant 0 : i32
          %dma_wait3A_326 = tpu.memref_slice %arg6[%dma_wait3A_315, %dma_wait3A_324, %dma_wait3A_325] : memref<5x512x32xf32, #tpu.memory_space<vmem>> -> memref<1x512x32xf32, #tpu.memory_space<vmem>>
          %dma_wait3A_327 = tpu.memref_squeeze %dma_wait3A_326 : memref<1x512x32xf32, #tpu.memory_space<vmem>> -> memref<512x32xf32, #tpu.memory_space<vmem>>
          tpu.wait_dma2 semaphore(%arg13 : memref<!tpu.dma_semaphore, #tpu.memory_space<semaphore_mem>>) src(%dma_wait3A_327 : memref<512x32xf32, #tpu.memory_space<vmem>>) dst(%dma_wait3A_323 : memref<512x32xf32, #tpu.memory_space<hbm>>)
        } else {
        }
        %add3A_300 = arith.constant 5 : i32
        %add3A_301 = arith.addi %add3A_186, %add3A_300 : i32
        %sub3A_302 = arith.constant 1 : i32
        %sub3A_303 = arith.subi %add3A_301, %sub3A_302 : i32
        %mul3A_304 = arith.constant 512 : i32
        %mul3A_305 = arith.muli %sub3A_303, %mul3A_304 : i32
        %dma_start3A_306 = arith.constant 1 : i32
        %dma_start3A_307 = arith.constant 0 : i32
        %dma_start3A_308 = arith.constant 0 : i32
        %dma_start3A_309 = tpu.memref_slice %arg6[%dma_start3A_306, %dma_start3A_307, %dma_start3A_308] : memref<5x512x32xf32, #tpu.memory_space<vmem>> -> memref<1x512x32xf32, #tpu.memory_space<vmem>>
        %dma_start3A_310 = tpu.memref_squeeze %dma_start3A_309 : memref<1x512x32xf32, #tpu.memory_space<vmem>> -> memref<512x32xf32, #tpu.memory_space<vmem>>
        %dma_start3A_311 = tpu.memref_slice %arg5[%mul3A_305] : memref<25600xi32, #tpu.memory_space<vmem>> -> memref<512xi32, #tpu.memory_space<vmem>>
        %dma_start3A_312 = arith.constant 0 : i32
        %dma_start3A_313 = arith.constant 0 : i32
        %dma_start3A_314 = tpu.memref_slice %arg3[%dma_start3A_312, %dma_start3A_313] : memref<1000000x32xf32, #tpu.memory_space<hbm>> -> memref<1000000x32xf32, #tpu.memory_space<hbm>>
        tpu.enqueue_indirect_dma source(%dma_start3A_314 : memref<1000000x32xf32, #tpu.memory_space<hbm>>) target(%dma_start3A_310 : memref<512x32xf32, #tpu.memory_space<vmem>>) offsets(%dma_start3A_311 : memref<512xi32, #tpu.memory_space<vmem>>) semaphore(%arg8 : memref<!tpu.dma_semaphore, #tpu.memory_space<semaphore_mem>>)
      } else {
      }
      %dma_wait3A_196 = arith.constant 2 : i32
      %dma_wait3A_197 = arith.constant 0 : i32
      %dma_wait3A_198 = arith.constant 0 : i32
      %dma_wait3A_199 = tpu.memref_slice %arg6[%dma_wait3A_196, %dma_wait3A_197, %dma_wait3A_198] : memref<5x512x32xf32, #tpu.memory_space<vmem>> -> memref<1x512x32xf32, #tpu.memory_space<vmem>>
      %dma_wait3A_200 = tpu.memref_squeeze %dma_wait3A_199 : memref<1x512x32xf32, #tpu.memory_space<vmem>> -> memref<512x32xf32, #tpu.memory_space<vmem>>
      %dma_wait3A_201 = arith.constant 0 : i32
      %dma_wait3A_202 = tpu.memref_slice %arg5[%dma_wait3A_201] : memref<25600xi32, #tpu.memory_space<vmem>> -> memref<512xi32, #tpu.memory_space<vmem>>
      %dma_wait3A_203 = arith.constant 0 : i32
      %dma_wait3A_204 = arith.constant 0 : i32
      %dma_wait3A_205 = tpu.memref_slice %arg3[%dma_wait3A_203, %dma_wait3A_204] : memref<1000000x32xf32, #tpu.memory_space<hbm>> -> memref<1000000x32xf32, #tpu.memory_space<hbm>>
      tpu.wait_indirect_dma semaphore(%arg9 : memref<!tpu.dma_semaphore, #tpu.memory_space<semaphore_mem>>) src(%dma_wait3A_205 : memref<1000000x32xf32, #tpu.memory_space<hbm>>) dst(%dma_wait3A_200 : memref<512x32xf32, #tpu.memory_space<vmem>>)
      %mul3A_206 = arith.constant 512 : i32
      %mul3A_207 = arith.muli %add3A_186, %mul3A_206 : i32
      %add3A_208 = arith.addi %mul3A_2, %mul3A_207 : i32
      %dma_start3A_209 = arith.constant 2 : i32
      %dma_start3A_210 = arith.constant 0 : i32
      %dma_start3A_211 = arith.constant 0 : i32
      %dma_start3A_212 = tpu.memref_slice %arg6[%dma_start3A_209, %dma_start3A_210, %dma_start3A_211] : memref<5x512x32xf32, #tpu.memory_space<vmem>> -> memref<1x512x32xf32, #tpu.memory_space<vmem>>
      %dma_start3A_213 = tpu.memref_squeeze %dma_start3A_212 : memref<1x512x32xf32, #tpu.memory_space<vmem>> -> memref<512x32xf32, #tpu.memory_space<vmem>>
      %dma_start3A_214 = arith.constant 0 : i32
      %dma_start3A_215 = tpu.memref_slice %arg4[%add3A_208, %dma_start3A_214] : memref<819200x128xf32, #tpu.memory_space<hbm>> -> memref<512x32xf32, #tpu.memory_space<hbm>>
      %dma_start3A_216 = arith.constant 0 : i32
      %dma_start3A_217 = tpu.memref_slice %arg4[%add3A_208, %dma_start3A_216] : memref<819200x128xf32, #tpu.memory_space<hbm>> -> memref<512x32xf32, #tpu.memory_space<hbm>>
      %dma_start3A_218 = arith.constant 0 : i32
      %dma_start3A_219 = arith.constant 0 : i32
      %dma_start3A_220 = tpu.memref_slice %arg6[%dma_start3A_209, %dma_start3A_218, %dma_start3A_219] : memref<5x512x32xf32, #tpu.memory_space<vmem>> -> memref<1x512x32xf32, #tpu.memory_space<vmem>>
      %dma_start3A_221 = tpu.memref_squeeze %dma_start3A_220 : memref<1x512x32xf32, #tpu.memory_space<vmem>> -> memref<512x32xf32, #tpu.memory_space<vmem>>
      tpu.enqueue_dma source(%dma_start3A_221 : memref<512x32xf32, #tpu.memory_space<vmem>>) target(%dma_start3A_217 : memref<512x32xf32, #tpu.memory_space<hbm>>) target_semaphore(%arg14 : memref<!tpu.dma_semaphore, #tpu.memory_space<semaphore_mem>>)
      %add3A_222 = arith.constant 3 : i32
      %add3A_223 = arith.addi %add3A_114, %add3A_222 : i32
      %add3A_224 = arith.constant 5 : i32
      %add3A_225 = arith.addi %add3A_223, %add3A_224 : i32
      %sub3A_226 = arith.constant 1 : i32
      %sub3A_227 = arith.subi %add3A_225, %sub3A_226 : i32
      %lt3A_228 = arith.constant 50 : i32
      %lt3A_229 = arith.cmpi slt, %sub3A_227, %lt3A_228 : i32
      %convert_element_type3A_230 = arith.extui %lt3A_229 : i1 to i32
      %cond3A_231 = arith.constant 0 : i32
      %cond3A_232 = arith.cmpi ne, %convert_element_type3A_230, %cond3A_231 : i32
      scf.if %cond3A_232 {
        %ge3A = arith.constant 1 : i32
        %ge3A_296 = arith.cmpi sge, %add3A_223, %ge3A : i32
        %convert_element_type3A_297 = arith.extui %ge3A_296 : i1 to i32
        %cond3A_298 = arith.constant 0 : i32
        %cond3A_299 = arith.cmpi ne, %convert_element_type3A_297, %cond3A_298 : i32
        scf.if %cond3A_299 {
          %dma_wait3A_315 = arith.constant 2 : i32
          %dma_wait3A_316 = arith.constant 0 : i32
          %dma_wait3A_317 = arith.constant 0 : i32
          %dma_wait3A_318 = tpu.memref_slice %arg6[%dma_wait3A_315, %dma_wait3A_316, %dma_wait3A_317] : memref<5x512x32xf32, #tpu.memory_space<vmem>> -> memref<1x512x32xf32, #tpu.memory_space<vmem>>
          %dma_wait3A_319 = tpu.memref_squeeze %dma_wait3A_318 : memref<1x512x32xf32, #tpu.memory_space<vmem>> -> memref<512x32xf32, #tpu.memory_space<vmem>>
          %dma_wait3A_320 = arith.constant 0 : i32
          %dma_wait3A_321 = tpu.memref_slice %arg4[%mul3A_2, %dma_wait3A_320] : memref<819200x128xf32, #tpu.memory_space<hbm>> -> memref<512x32xf32, #tpu.memory_space<hbm>>
          %dma_wait3A_322 = arith.constant 0 : i32
          %dma_wait3A_323 = tpu.memref_slice %arg4[%mul3A_2, %dma_wait3A_322] : memref<819200x128xf32, #tpu.memory_space<hbm>> -> memref<512x32xf32, #tpu.memory_space<hbm>>
          %dma_wait3A_324 = arith.constant 0 : i32
          %dma_wait3A_325 = arith.constant 0 : i32
          %dma_wait3A_326 = tpu.memref_slice %arg6[%dma_wait3A_315, %dma_wait3A_324, %dma_wait3A_325] : memref<5x512x32xf32, #tpu.memory_space<vmem>> -> memref<1x512x32xf32, #tpu.memory_space<vmem>>
          %dma_wait3A_327 = tpu.memref_squeeze %dma_wait3A_326 : memref<1x512x32xf32, #tpu.memory_space<vmem>> -> memref<512x32xf32, #tpu.memory_space<vmem>>
          tpu.wait_dma2 semaphore(%arg14 : memref<!tpu.dma_semaphore, #tpu.memory_space<semaphore_mem>>) src(%dma_wait3A_327 : memref<512x32xf32, #tpu.memory_space<vmem>>) dst(%dma_wait3A_323 : memref<512x32xf32, #tpu.memory_space<hbm>>)
        } else {
        }
        %add3A_300 = arith.constant 5 : i32
        %add3A_301 = arith.addi %add3A_223, %add3A_300 : i32
        %sub3A_302 = arith.constant 1 : i32
        %sub3A_303 = arith.subi %add3A_301, %sub3A_302 : i32
        %mul3A_304 = arith.constant 512 : i32
        %mul3A_305 = arith.muli %sub3A_303, %mul3A_304 : i32
        %dma_start3A_306 = arith.constant 2 : i32
        %dma_start3A_307 = arith.constant 0 : i32
        %dma_start3A_308 = arith.constant 0 : i32
        %dma_start3A_309 = tpu.memref_slice %arg6[%dma_start3A_306, %dma_start3A_307, %dma_start3A_308] : memref<5x512x32xf32, #tpu.memory_space<vmem>> -> memref<1x512x32xf32, #tpu.memory_space<vmem>>
        %dma_start3A_310 = tpu.memref_squeeze %dma_start3A_309 : memref<1x512x32xf32, #tpu.memory_space<vmem>> -> memref<512x32xf32, #tpu.memory_space<vmem>>
        %dma_start3A_311 = tpu.memref_slice %arg5[%mul3A_305] : memref<25600xi32, #tpu.memory_space<vmem>> -> memref<512xi32, #tpu.memory_space<vmem>>
        %dma_start3A_312 = arith.constant 0 : i32
        %dma_start3A_313 = arith.constant 0 : i32
        %dma_start3A_314 = tpu.memref_slice %arg3[%dma_start3A_312, %dma_start3A_313] : memref<1000000x32xf32, #tpu.memory_space<hbm>> -> memref<1000000x32xf32, #tpu.memory_space<hbm>>
        tpu.enqueue_indirect_dma source(%dma_start3A_314 : memref<1000000x32xf32, #tpu.memory_space<hbm>>) target(%dma_start3A_310 : memref<512x32xf32, #tpu.memory_space<vmem>>) offsets(%dma_start3A_311 : memref<512xi32, #tpu.memory_space<vmem>>) semaphore(%arg9 : memref<!tpu.dma_semaphore, #tpu.memory_space<semaphore_mem>>)
      } else {
      }
      %dma_wait3A_233 = arith.constant 3 : i32
      %dma_wait3A_234 = arith.constant 0 : i32
      %dma_wait3A_235 = arith.constant 0 : i32
      %dma_wait3A_236 = tpu.memref_slice %arg6[%dma_wait3A_233, %dma_wait3A_234, %dma_wait3A_235] : memref<5x512x32xf32, #tpu.memory_space<vmem>> -> memref<1x512x32xf32, #tpu.memory_space<vmem>>
      %dma_wait3A_237 = tpu.memref_squeeze %dma_wait3A_236 : memref<1x512x32xf32, #tpu.memory_space<vmem>> -> memref<512x32xf32, #tpu.memory_space<vmem>>
      %dma_wait3A_238 = arith.constant 0 : i32
      %dma_wait3A_239 = tpu.memref_slice %arg5[%dma_wait3A_238] : memref<25600xi32, #tpu.memory_space<vmem>> -> memref<512xi32, #tpu.memory_space<vmem>>
      %dma_wait3A_240 = arith.constant 0 : i32
      %dma_wait3A_241 = arith.constant 0 : i32
      %dma_wait3A_242 = tpu.memref_slice %arg3[%dma_wait3A_240, %dma_wait3A_241] : memref<1000000x32xf32, #tpu.memory_space<hbm>> -> memref<1000000x32xf32, #tpu.memory_space<hbm>>
      tpu.wait_indirect_dma semaphore(%arg10 : memref<!tpu.dma_semaphore, #tpu.memory_space<semaphore_mem>>) src(%dma_wait3A_242 : memref<1000000x32xf32, #tpu.memory_space<hbm>>) dst(%dma_wait3A_237 : memref<512x32xf32, #tpu.memory_space<vmem>>)
      %mul3A_243 = arith.constant 512 : i32
      %mul3A_244 = arith.muli %add3A_223, %mul3A_243 : i32
      %add3A_245 = arith.addi %mul3A_2, %mul3A_244 : i32
      %dma_start3A_246 = arith.constant 3 : i32
      %dma_start3A_247 = arith.constant 0 : i32
      %dma_start3A_248 = arith.constant 0 : i32
      %dma_start3A_249 = tpu.memref_slice %arg6[%dma_start3A_246, %dma_start3A_247, %dma_start3A_248] : memref<5x512x32xf32, #tpu.memory_space<vmem>> -> memref<1x512x32xf32, #tpu.memory_space<vmem>>
      %dma_start3A_250 = tpu.memref_squeeze %dma_start3A_249 : memref<1x512x32xf32, #tpu.memory_space<vmem>> -> memref<512x32xf32, #tpu.memory_space<vmem>>
      %dma_start3A_251 = arith.constant 0 : i32
      %dma_start3A_252 = tpu.memref_slice %arg4[%add3A_245, %dma_start3A_251] : memref<819200x128xf32, #tpu.memory_space<hbm>> -> memref<512x32xf32, #tpu.memory_space<hbm>>
      %dma_start3A_253 = arith.constant 0 : i32
      %dma_start3A_254 = tpu.memref_slice %arg4[%add3A_245, %dma_start3A_253] : memref<819200x128xf32, #tpu.memory_space<hbm>> -> memref<512x32xf32, #tpu.memory_space<hbm>>
      %dma_start3A_255 = arith.constant 0 : i32
      %dma_start3A_256 = arith.constant 0 : i32
      %dma_start3A_257 = tpu.memref_slice %arg6[%dma_start3A_246, %dma_start3A_255, %dma_start3A_256] : memref<5x512x32xf32, #tpu.memory_space<vmem>> -> memref<1x512x32xf32, #tpu.memory_space<vmem>>
      %dma_start3A_258 = tpu.memref_squeeze %dma_start3A_257 : memref<1x512x32xf32, #tpu.memory_space<vmem>> -> memref<512x32xf32, #tpu.memory_space<vmem>>
      tpu.enqueue_dma source(%dma_start3A_258 : memref<512x32xf32, #tpu.memory_space<vmem>>) target(%dma_start3A_254 : memref<512x32xf32, #tpu.memory_space<hbm>>) target_semaphore(%arg15 : memref<!tpu.dma_semaphore, #tpu.memory_space<semaphore_mem>>)
      %add3A_259 = arith.constant 4 : i32
      %add3A_260 = arith.addi %add3A_114, %add3A_259 : i32
      %add3A_261 = arith.constant 5 : i32
      %add3A_262 = arith.addi %add3A_260, %add3A_261 : i32
      %sub3A_263 = arith.constant 1 : i32
      %sub3A_264 = arith.subi %add3A_262, %sub3A_263 : i32
      %lt3A_265 = arith.constant 50 : i32
      %lt3A_266 = arith.cmpi slt, %sub3A_264, %lt3A_265 : i32
      %convert_element_type3A_267 = arith.extui %lt3A_266 : i1 to i32
      %cond3A_268 = arith.constant 0 : i32
      %cond3A_269 = arith.cmpi ne, %convert_element_type3A_267, %cond3A_268 : i32
      scf.if %cond3A_269 {
        %ge3A = arith.constant 1 : i32
        %ge3A_296 = arith.cmpi sge, %add3A_260, %ge3A : i32
        %convert_element_type3A_297 = arith.extui %ge3A_296 : i1 to i32
        %cond3A_298 = arith.constant 0 : i32
        %cond3A_299 = arith.cmpi ne, %convert_element_type3A_297, %cond3A_298 : i32
        scf.if %cond3A_299 {
          %dma_wait3A_315 = arith.constant 3 : i32
          %dma_wait3A_316 = arith.constant 0 : i32
          %dma_wait3A_317 = arith.constant 0 : i32
          %dma_wait3A_318 = tpu.memref_slice %arg6[%dma_wait3A_315, %dma_wait3A_316, %dma_wait3A_317] : memref<5x512x32xf32, #tpu.memory_space<vmem>> -> memref<1x512x32xf32, #tpu.memory_space<vmem>>
          %dma_wait3A_319 = tpu.memref_squeeze %dma_wait3A_318 : memref<1x512x32xf32, #tpu.memory_space<vmem>> -> memref<512x32xf32, #tpu.memory_space<vmem>>
          %dma_wait3A_320 = arith.constant 0 : i32
          %dma_wait3A_321 = tpu.memref_slice %arg4[%mul3A_2, %dma_wait3A_320] : memref<819200x128xf32, #tpu.memory_space<hbm>> -> memref<512x32xf32, #tpu.memory_space<hbm>>
          %dma_wait3A_322 = arith.constant 0 : i32
          %dma_wait3A_323 = tpu.memref_slice %arg4[%mul3A_2, %dma_wait3A_322] : memref<819200x128xf32, #tpu.memory_space<hbm>> -> memref<512x32xf32, #tpu.memory_space<hbm>>
          %dma_wait3A_324 = arith.constant 0 : i32
          %dma_wait3A_325 = arith.constant 0 : i32
          %dma_wait3A_326 = tpu.memref_slice %arg6[%dma_wait3A_315, %dma_wait3A_324, %dma_wait3A_325] : memref<5x512x32xf32, #tpu.memory_space<vmem>> -> memref<1x512x32xf32, #tpu.memory_space<vmem>>
          %dma_wait3A_327 = tpu.memref_squeeze %dma_wait3A_326 : memref<1x512x32xf32, #tpu.memory_space<vmem>> -> memref<512x32xf32, #tpu.memory_space<vmem>>
          tpu.wait_dma2 semaphore(%arg15 : memref<!tpu.dma_semaphore, #tpu.memory_space<semaphore_mem>>) src(%dma_wait3A_327 : memref<512x32xf32, #tpu.memory_space<vmem>>) dst(%dma_wait3A_323 : memref<512x32xf32, #tpu.memory_space<hbm>>)
        } else {
        }
        %add3A_300 = arith.constant 5 : i32
        %add3A_301 = arith.addi %add3A_260, %add3A_300 : i32
        %sub3A_302 = arith.constant 1 : i32
        %sub3A_303 = arith.subi %add3A_301, %sub3A_302 : i32
        %mul3A_304 = arith.constant 512 : i32
        %mul3A_305 = arith.muli %sub3A_303, %mul3A_304 : i32
        %dma_start3A_306 = arith.constant 3 : i32
        %dma_start3A_307 = arith.constant 0 : i32
        %dma_start3A_308 = arith.constant 0 : i32
        %dma_start3A_309 = tpu.memref_slice %arg6[%dma_start3A_306, %dma_start3A_307, %dma_start3A_308] : memref<5x512x32xf32, #tpu.memory_space<vmem>> -> memref<1x512x32xf32, #tpu.memory_space<vmem>>
        %dma_start3A_310 = tpu.memref_squeeze %dma_start3A_309 : memref<1x512x32xf32, #tpu.memory_space<vmem>> -> memref<512x32xf32, #tpu.memory_space<vmem>>
        %dma_start3A_311 = tpu.memref_slice %arg5[%mul3A_305] : memref<25600xi32, #tpu.memory_space<vmem>> -> memref<512xi32, #tpu.memory_space<vmem>>
        %dma_start3A_312 = arith.constant 0 : i32
        %dma_start3A_313 = arith.constant 0 : i32
        %dma_start3A_314 = tpu.memref_slice %arg3[%dma_start3A_312, %dma_start3A_313] : memref<1000000x32xf32, #tpu.memory_space<hbm>> -> memref<1000000x32xf32, #tpu.memory_space<hbm>>
        tpu.enqueue_indirect_dma source(%dma_start3A_314 : memref<1000000x32xf32, #tpu.memory_space<hbm>>) target(%dma_start3A_310 : memref<512x32xf32, #tpu.memory_space<vmem>>) offsets(%dma_start3A_311 : memref<512xi32, #tpu.memory_space<vmem>>) semaphore(%arg10 : memref<!tpu.dma_semaphore, #tpu.memory_space<semaphore_mem>>)
      } else {
      }
      %dma_wait3A_270 = arith.constant 4 : i32
      %dma_wait3A_271 = arith.constant 0 : i32
      %dma_wait3A_272 = arith.constant 0 : i32
      %dma_wait3A_273 = tpu.memref_slice %arg6[%dma_wait3A_270, %dma_wait3A_271, %dma_wait3A_272] : memref<5x512x32xf32, #tpu.memory_space<vmem>> -> memref<1x512x32xf32, #tpu.memory_space<vmem>>
      %dma_wait3A_274 = tpu.memref_squeeze %dma_wait3A_273 : memref<1x512x32xf32, #tpu.memory_space<vmem>> -> memref<512x32xf32, #tpu.memory_space<vmem>>
      %dma_wait3A_275 = arith.constant 0 : i32
      %dma_wait3A_276 = tpu.memref_slice %arg5[%dma_wait3A_275] : memref<25600xi32, #tpu.memory_space<vmem>> -> memref<512xi32, #tpu.memory_space<vmem>>
      %dma_wait3A_277 = arith.constant 0 : i32
      %dma_wait3A_278 = arith.constant 0 : i32
      %dma_wait3A_279 = tpu.memref_slice %arg3[%dma_wait3A_277, %dma_wait3A_278] : memref<1000000x32xf32, #tpu.memory_space<hbm>> -> memref<1000000x32xf32, #tpu.memory_space<hbm>>
      tpu.wait_indirect_dma semaphore(%arg11 : memref<!tpu.dma_semaphore, #tpu.memory_space<semaphore_mem>>) src(%dma_wait3A_279 : memref<1000000x32xf32, #tpu.memory_space<hbm>>) dst(%dma_wait3A_274 : memref<512x32xf32, #tpu.memory_space<vmem>>)
      %mul3A_280 = arith.constant 512 : i32
      %mul3A_281 = arith.muli %add3A_260, %mul3A_280 : i32
      %add3A_282 = arith.addi %mul3A_2, %mul3A_281 : i32
      %dma_start3A_283 = arith.constant 4 : i32
      %dma_start3A_284 = arith.constant 0 : i32
      %dma_start3A_285 = arith.constant 0 : i32
      %dma_start3A_286 = tpu.memref_slice %arg6[%dma_start3A_283, %dma_start3A_284, %dma_start3A_285] : memref<5x512x32xf32, #tpu.memory_space<vmem>> -> memref<1x512x32xf32, #tpu.memory_space<vmem>>
      %dma_start3A_287 = tpu.memref_squeeze %dma_start3A_286 : memref<1x512x32xf32, #tpu.memory_space<vmem>> -> memref<512x32xf32, #tpu.memory_space<vmem>>
      %dma_start3A_288 = arith.constant 0 : i32
      %dma_start3A_289 = tpu.memref_slice %arg4[%add3A_282, %dma_start3A_288] : memref<819200x128xf32, #tpu.memory_space<hbm>> -> memref<512x32xf32, #tpu.memory_space<hbm>>
      %dma_start3A_290 = arith.constant 0 : i32
      %dma_start3A_291 = tpu.memref_slice %arg4[%add3A_282, %dma_start3A_290] : memref<819200x128xf32, #tpu.memory_space<hbm>> -> memref<512x32xf32, #tpu.memory_space<hbm>>
      %dma_start3A_292 = arith.constant 0 : i32
      %dma_start3A_293 = arith.constant 0 : i32
      %dma_start3A_294 = tpu.memref_slice %arg6[%dma_start3A_283, %dma_start3A_292, %dma_start3A_293] : memref<5x512x32xf32, #tpu.memory_space<vmem>> -> memref<1x512x32xf32, #tpu.memory_space<vmem>>
      %dma_start3A_295 = tpu.memref_squeeze %dma_start3A_294 : memref<1x512x32xf32, #tpu.memory_space<vmem>> -> memref<512x32xf32, #tpu.memory_space<vmem>>
      tpu.enqueue_dma source(%dma_start3A_295 : memref<512x32xf32, #tpu.memory_space<vmem>>) target(%dma_start3A_291 : memref<512x32xf32, #tpu.memory_space<hbm>>) target_semaphore(%arg16 : memref<!tpu.dma_semaphore, #tpu.memory_space<semaphore_mem>>)
    }
    %scan3A_45 = arith.constant 10 : i32
    %dma_wait3A = arith.constant 0 : i32
    %dma_wait3A_46 = arith.constant 0 : i32
    %dma_wait3A_47 = arith.constant 0 : i32
    %dma_wait3A_48 = tpu.memref_slice %arg6[%dma_wait3A, %dma_wait3A_46, %dma_wait3A_47] : memref<5x512x32xf32, #tpu.memory_space<vmem>> -> memref<1x512x32xf32, #tpu.memory_space<vmem>>
    %dma_wait3A_49 = tpu.memref_squeeze %dma_wait3A_48 : memref<1x512x32xf32, #tpu.memory_space<vmem>> -> memref<512x32xf32, #tpu.memory_space<vmem>>
    %dma_wait3A_50 = arith.constant 0 : i32
    %dma_wait3A_51 = tpu.memref_slice %arg4[%mul3A_2, %dma_wait3A_50] : memref<819200x128xf32, #tpu.memory_space<hbm>> -> memref<512x32xf32, #tpu.memory_space<hbm>>
    %dma_wait3A_52 = arith.constant 0 : i32
    %dma_wait3A_53 = tpu.memref_slice %arg4[%mul3A_2, %dma_wait3A_52] : memref<819200x128xf32, #tpu.memory_space<hbm>> -> memref<512x32xf32, #tpu.memory_space<hbm>>
    %dma_wait3A_54 = arith.constant 0 : i32
    %dma_wait3A_55 = arith.constant 0 : i32
    %dma_wait3A_56 = tpu.memref_slice %arg6[%dma_wait3A, %dma_wait3A_54, %dma_wait3A_55] : memref<5x512x32xf32, #tpu.memory_space<vmem>> -> memref<1x512x32xf32, #tpu.memory_space<vmem>>
    %dma_wait3A_57 = tpu.memref_squeeze %dma_wait3A_56 : memref<1x512x32xf32, #tpu.memory_space<vmem>> -> memref<512x32xf32, #tpu.memory_space<vmem>>
    tpu.wait_dma2 semaphore(%arg12 : memref<!tpu.dma_semaphore, #tpu.memory_space<semaphore_mem>>) src(%dma_wait3A_57 : memref<512x32xf32, #tpu.memory_space<vmem>>) dst(%dma_wait3A_53 : memref<512x32xf32, #tpu.memory_space<hbm>>)
    %dma_wait3A_58 = arith.constant 1 : i32
    %dma_wait3A_59 = arith.constant 0 : i32
    %dma_wait3A_60 = arith.constant 0 : i32
    %dma_wait3A_61 = tpu.memref_slice %arg6[%dma_wait3A_58, %dma_wait3A_59, %dma_wait3A_60] : memref<5x512x32xf32, #tpu.memory_space<vmem>> -> memref<1x512x32xf32, #tpu.memory_space<vmem>>
    %dma_wait3A_62 = tpu.memref_squeeze %dma_wait3A_61 : memref<1x512x32xf32, #tpu.memory_space<vmem>> -> memref<512x32xf32, #tpu.memory_space<vmem>>
    %dma_wait3A_63 = arith.constant 0 : i32
    %dma_wait3A_64 = tpu.memref_slice %arg4[%mul3A_2, %dma_wait3A_63] : memref<819200x128xf32, #tpu.memory_space<hbm>> -> memref<512x32xf32, #tpu.memory_space<hbm>>
    %dma_wait3A_65 = arith.constant 0 : i32
    %dma_wait3A_66 = tpu.memref_slice %arg4[%mul3A_2, %dma_wait3A_65] : memref<819200x128xf32, #tpu.memory_space<hbm>> -> memref<512x32xf32, #tpu.memory_space<hbm>>
    %dma_wait3A_67 = arith.constant 0 : i32
    %dma_wait3A_68 = arith.constant 0 : i32
    %dma_wait3A_69 = tpu.memref_slice %arg6[%dma_wait3A_58, %dma_wait3A_67, %dma_wait3A_68] : memref<5x512x32xf32, #tpu.memory_space<vmem>> -> memref<1x512x32xf32, #tpu.memory_space<vmem>>
    %dma_wait3A_70 = tpu.memref_squeeze %dma_wait3A_69 : memref<1x512x32xf32, #tpu.memory_space<vmem>> -> memref<512x32xf32, #tpu.memory_space<vmem>>
    tpu.wait_dma2 semaphore(%arg13 : memref<!tpu.dma_semaphore, #tpu.memory_space<semaphore_mem>>) src(%dma_wait3A_70 : memref<512x32xf32, #tpu.memory_space<vmem>>) dst(%dma_wait3A_66 : memref<512x32xf32, #tpu.memory_space<hbm>>)
    %dma_wait3A_71 = arith.constant 2 : i32
    %dma_wait3A_72 = arith.constant 0 : i32
    %dma_wait3A_73 = arith.constant 0 : i32
    %dma_wait3A_74 = tpu.memref_slice %arg6[%dma_wait3A_71, %dma_wait3A_72, %dma_wait3A_73] : memref<5x512x32xf32, #tpu.memory_space<vmem>> -> memref<1x512x32xf32, #tpu.memory_space<vmem>>
    %dma_wait3A_75 = tpu.memref_squeeze %dma_wait3A_74 : memref<1x512x32xf32, #tpu.memory_space<vmem>> -> memref<512x32xf32, #tpu.memory_space<vmem>>
    %dma_wait3A_76 = arith.constant 0 : i32
    %dma_wait3A_77 = tpu.memref_slice %arg4[%mul3A_2, %dma_wait3A_76] : memref<819200x128xf32, #tpu.memory_space<hbm>> -> memref<512x32xf32, #tpu.memory_space<hbm>>
    %dma_wait3A_78 = arith.constant 0 : i32
    %dma_wait3A_79 = tpu.memref_slice %arg4[%mul3A_2, %dma_wait3A_78] : memref<819200x128xf32, #tpu.memory_space<hbm>> -> memref<512x32xf32, #tpu.memory_space<hbm>>
    %dma_wait3A_80 = arith.constant 0 : i32
    %dma_wait3A_81 = arith.constant 0 : i32
    %dma_wait3A_82 = tpu.memref_slice %arg6[%dma_wait3A_71, %dma_wait3A_80, %dma_wait3A_81] : memref<5x512x32xf32, #tpu.memory_space<vmem>> -> memref<1x512x32xf32, #tpu.memory_space<vmem>>
    %dma_wait3A_83 = tpu.memref_squeeze %dma_wait3A_82 : memref<1x512x32xf32, #tpu.memory_space<vmem>> -> memref<512x32xf32, #tpu.memory_space<vmem>>
    tpu.wait_dma2 semaphore(%arg14 : memref<!tpu.dma_semaphore, #tpu.memory_space<semaphore_mem>>) src(%dma_wait3A_83 : memref<512x32xf32, #tpu.memory_space<vmem>>) dst(%dma_wait3A_79 : memref<512x32xf32, #tpu.memory_space<hbm>>)
    %dma_wait3A_84 = arith.constant 3 : i32
    %dma_wait3A_85 = arith.constant 0 : i32
    %dma_wait3A_86 = arith.constant 0 : i32
    %dma_wait3A_87 = tpu.memref_slice %arg6[%dma_wait3A_84, %dma_wait3A_85, %dma_wait3A_86] : memref<5x512x32xf32, #tpu.memory_space<vmem>> -> memref<1x512x32xf32, #tpu.memory_space<vmem>>
    %dma_wait3A_88 = tpu.memref_squeeze %dma_wait3A_87 : memref<1x512x32xf32, #tpu.memory_space<vmem>> -> memref<512x32xf32, #tpu.memory_space<vmem>>
    %dma_wait3A_89 = arith.constant 0 : i32
    %dma_wait3A_90 = tpu.memref_slice %arg4[%mul3A_2, %dma_wait3A_89] : memref<819200x128xf32, #tpu.memory_space<hbm>> -> memref<512x32xf32, #tpu.memory_space<hbm>>
    %dma_wait3A_91 = arith.constant 0 : i32
    %dma_wait3A_92 = tpu.memref_slice %arg4[%mul3A_2, %dma_wait3A_91] : memref<819200x128xf32, #tpu.memory_space<hbm>> -> memref<512x32xf32, #tpu.memory_space<hbm>>
    %dma_wait3A_93 = arith.constant 0 : i32
    %dma_wait3A_94 = arith.constant 0 : i32
    %dma_wait3A_95 = tpu.memref_slice %arg6[%dma_wait3A_84, %dma_wait3A_93, %dma_wait3A_94] : memref<5x512x32xf32, #tpu.memory_space<vmem>> -> memref<1x512x32xf32, #tpu.memory_space<vmem>>
    %dma_wait3A_96 = tpu.memref_squeeze %dma_wait3A_95 : memref<1x512x32xf32, #tpu.memory_space<vmem>> -> memref<512x32xf32, #tpu.memory_space<vmem>>
    tpu.wait_dma2 semaphore(%arg15 : memref<!tpu.dma_semaphore, #tpu.memory_space<semaphore_mem>>) src(%dma_wait3A_96 : memref<512x32xf32, #tpu.memory_space<vmem>>) dst(%dma_wait3A_92 : memref<512x32xf32, #tpu.memory_space<hbm>>)
    %dma_wait3A_97 = arith.constant 4 : i32
    %dma_wait3A_98 = arith.constant 0 : i32
    %dma_wait3A_99 = arith.constant 0 : i32
    %dma_wait3A_100 = tpu.memref_slice %arg6[%dma_wait3A_97, %dma_wait3A_98, %dma_wait3A_99] : memref<5x512x32xf32, #tpu.memory_space<vmem>> -> memref<1x512x32xf32, #tpu.memory_space<vmem>>
    %dma_wait3A_101 = tpu.memref_squeeze %dma_wait3A_100 : memref<1x512x32xf32, #tpu.memory_space<vmem>> -> memref<512x32xf32, #tpu.memory_space<vmem>>
    %dma_wait3A_102 = arith.constant 0 : i32
    %dma_wait3A_103 = tpu.memref_slice %arg4[%mul3A_2, %dma_wait3A_102] : memref<819200x128xf32, #tpu.memory_space<hbm>> -> memref<512x32xf32, #tpu.memory_space<hbm>>
    %dma_wait3A_104 = arith.constant 0 : i32
    %dma_wait3A_105 = tpu.memref_slice %arg4[%mul3A_2, %dma_wait3A_104] : memref<819200x128xf32, #tpu.memory_space<hbm>> -> memref<512x32xf32, #tpu.memory_space<hbm>>
    %dma_wait3A_106 = arith.constant 0 : i32
    %dma_wait3A_107 = arith.constant 0 : i32
    %dma_wait3A_108 = tpu.memref_slice %arg6[%dma_wait3A_97, %dma_wait3A_106, %dma_wait3A_107] : memref<5x512x32xf32, #tpu.memory_space<vmem>> -> memref<1x512x32xf32, #tpu.memory_space<vmem>>
    %dma_wait3A_109 = tpu.memref_squeeze %dma_wait3A_108 : memref<1x512x32xf32, #tpu.memory_space<vmem>> -> memref<512x32xf32, #tpu.memory_space<vmem>>
    tpu.wait_dma2 semaphore(%arg16 : memref<!tpu.dma_semaphore, #tpu.memory_space<semaphore_mem>>) src(%dma_wait3A_109 : memref<512x32xf32, #tpu.memory_space<vmem>>) dst(%dma_wait3A_105 : memref<512x32xf32, #tpu.memory_space<hbm>>)
    return
  }
}

</mosaic_0001>

<sc_bundles>
// kernel: kernel.3.cloned.1.call-start
scs
__scs_entry_jumppad:
0x0: {  	(pc) =	sbr.rel $0x88, $3  }
0x1: {  	(tag) =	ssettag $0x0;
	lr =	simm.s32 $0x1  }
0x2: {  	[smem:$0x3F9F] =	sst lr;
	_ =	strace $0xD0000000  }
0x3: {  	_ = 	snop  }
0x4: {  	_ = 	snop  }
0x5: {  	_ = 	snop  }
0x6: {  	_ = 	snop  }
0x7: {  	_ = 	snop  }
__scs_overlays_trampoline_lowered:
0x8: {  	[smem:$0x3FAE] =	sst s0  }
0x9: {  	[smem:$0x3FAF] =	sst s1  }
0xa: {  	[smem:$0x3FB0] =	sst s2  }
0xb: {  	[smem:$0x3FB1] =	sst s3  }
0xc: {  	[smem:$0x3FB2] =	sst s4  }
0xd: {  	[smem:$0x3FB3] =	sst s5  }
0xe: {  	[smem:$0x3FB4] =	sst s6  }
0xf: {  	[smem:$0x3FB5] =	sst s7  }
0x10: {  	[smem:$0x3FB6] =	sst s8  }
0x11: {  	[smem:$0x3FB7] =	sst s9;
	s0 =	simm.s32 @!p0 $0x0  }
0x12: {  	s1 =	sld [smem:$0x3F9D];
	s0 =	simm.s32 @p0 $0x1  }
0x13: {  	[smem:$0x3FB8] =	sst s0;
	s0 =	simm.s32 @!p1 $0x0  }
0x14: {  	s2 =	sld [smem:$0x3F9C];
	s0 =	simm.s32 @p1 $0x1  }
0x15: {  	[smem:$0x3FB9] =	sst s0;
	s0 =	simm.s32 @!p2 $0x0  }
0x16: {  	s3 =	sld [smem:$0x3FDB];
	s0 =	simm.s32 @p2 $0x1  }
0x17: {  	s4 =	simm.s32 $0x1BF5;
	[smem:$0x3FBB] =	sst s0  }
0x18: {  	s0 =	sld [smem:$0x3F9E];
	_ =	swait.ge [sflag:s4], $0x0  }
0x19: {  	s7 =	sld [smem:$0x3F9F]  }
0x1a: {  	s8 =	sadd.s32 $0xFFFFE003, lr  }
0x1b: {  	s9 =	sadd.s32 $0xFFFFFEF7, lr;
	s5 =	simm.s32 $0xFFFFFFFF;
	p2 =	slt.u32 s8, $0xFFFFF086  }
0x1c: {  	p1 =	slt.u32 s9, $0xF7A;
	s5 =	simm.s32 @!p2 $0x0  }
0x1d: {  	s5 =	simm.s32 @p1 $0x1;
	p0 =	seq.s32 s7, s2  }
0x1e: {  	s7 =	smul.u32 @!p0 $0xF7A, s2;
	p2 =	seq.s32 @!p0 s5, $0x0  }
0x1f: {  	s9 =	smul.u32 $0xF7A, s1;
	s8 =	simm.s32 @!p0 $0x1BF5;
	p2 =	por !p2, p0  }
0x20: {  	[sflag:s8] =	ssyncset.s32 @!p0 $0xFFFFF086;
	s6 =	sadd.s32 @!p0 s3, s7;
	s7 =	simm.s32 @!p0 $0x108  }
0x21: {  	s3 =	sadd.s32 s3, s9;
	s6 =	sadd.s32 @!p0 $0x88, s6;
	s7 =	simm.s32 @p2 $0x1082  }
0x22: {  	[simem:s7], [sflag:s8] =	dma.local @!p0 [hbm:s6], $0xF7A  }
0x23: {  	s9 =	sor.u32 $0xD0000000, s2;
	s6 =	simm.s32 $0x108;
	_ =	swait.ge @!p0 [sflag:s8], $0x0  }
0x24: {  	s3 =	sadd.s32 $0x88, s3;
	s6 =	simm.s32 @!p1 $0x1082;
	[sflag:s4] =	ssyncset.s32 $0xFFFFF086  }
0x25: {  	[simem:s6], [sflag:s4] =	dma.local [hbm:s3], $0xF7A  }
0x26: {  	[smem:$0x3F9F] =	sst s1;
	(tag) =	ssettag s2;
	_ =	strace s9  }
0x27: {  	s1 =	sld [smem:$0x3FAF]  }
0x28: {  	s2 =	sld [smem:$0x3FB0]  }
0x29: {  	s4 =	sld [smem:$0x3FB2]  }
0x2a: {  	p0 =	seq.s32 s5, $0x0;
	s5 =	sld [smem:$0x3FB3]  }
0x2b: {  	s6 =	sld [smem:$0x3FB4]  }
0x2c: {  	s7 =	sld [smem:$0x3FB5]  }
0x2d: {  	s3 =	simm.s32 $0x108;
	s8 =	sld [smem:$0x3FB6]  }
0x2e: {  	s3 =	simm.s32 @!p0 $0x1082;
	s9 =	sld [smem:$0x3FB7]  }
0x2f: {  	lr =	sadd.s32 s0, s3;
	s0 =	sld [smem:$0x3FAE]  }
0x30: {  	s3 =	sld [smem:$0x3FB1]  }
0x31: {  	[smem:$0x3FBA] =	sst s10  }
0x32: {  	s10 =	sld [smem:$0x3FB8];
	_ =	sdelay $0x3  }
0x33: {  	p0 =	seq.s32 s10, $0x1;
	s10 =	sld [smem:$0x3FBA];
	_ =	sdelay $0x3  }
0x34: {  	[smem:$0x3FBA] =	sst s10  }
0x35: {  	s10 =	sld [smem:$0x3FB9];
	_ =	sdelay $0x3  }
0x36: {  	p1 =	seq.s32 s10, $0x1;
	s10 =	sld [smem:$0x3FBA];
	_ =	sdelay $0x3  }
0x37: {  	[smem:$0x3FBA] =	sst s10  }
0x38: {  	s10 =	sld [smem:$0x3FBB]  }
0x39: {  	_ = 	snop;
	(pc) =	sbr.ind lr, $3  }
0x3a: {  	_ = 	snop  }
0x3b: {  	_ = 	snop  }
0x3c: {  	p2 =	seq.s32 s10, $0x1;
	s10 =	sld [smem:$0x3FBA]  }
0x3d: {  	_ =	shalt  }
0x3e: {  	_ =	shalt  }
0x3f: {  	_ =	shalt  }
0x40: {  	_ =	shalt  }
0x41: {  	_ =	shalt  }
0x42: {  	_ =	shalt  }
0x43: {  	_ =	shalt  }
0x44: {  	_ =	shalt  }
0x45: {  	_ =	shalt  }
0x46: {  	_ =	shalt  }
0x47: {  	_ =	shalt  }
0x48: {  	_ =	shalt  }
0x49: {  	_ =	shalt  }
0x4a: {  	_ =	shalt  }
0x4b: {  	_ =	shalt  }
0x4c: {  	_ =	shalt  }
0x4d: {  	_ =	shalt  }
0x4e: {  	_ =	shalt  }
0x4f: {  	_ =	shalt  }
0x50: {  	_ =	shalt  }
0x51: {  	_ =	shalt  }
0x52: {  	_ =	shalt  }
0x53: {  	_ =	shalt  }
0x54: {  	_ =	shalt  }
0x55: {  	_ =	shalt  }
0x56: {  	_ =	shalt  }
0x57: {  	_ =	shalt  }
0x58: {  	_ =	shalt  }
0x59: {  	_ =	shalt  }
0x5a: {  	_ =	shalt  }
0x5b: {  	_ =	shalt  }
0x5c: {  	_ =	shalt  }
0x5d: {  	_ =	shalt  }
0x5e: {  	_ =	shalt  }
0x5f: {  	_ =	shalt  }
0x60: {  	_ =	shalt  }
0x61: {  	_ =	shalt  }
0x62: {  	_ =	shalt  }
0x63: {  	_ =	shalt  }
0x64: {  	_ =	shalt  }
0x65: {  	_ =	shalt  }
0x66: {  	_ =	shalt  }
0x67: {  	_ =	shalt  }
0x68: {  	_ =	shalt  }
0x69: {  	_ =	shalt  }
0x6a: {  	_ =	shalt  }
0x6b: {  	_ =	shalt  }
0x6c: {  	_ =	shalt  }
0x6d: {  	_ =	shalt  }
0x6e: {  	_ =	shalt  }
0x6f: {  	_ =	shalt  }
0x70: {  	_ =	shalt  }
0x71: {  	_ =	shalt  }
0x72: {  	_ =	shalt  }
0x73: {  	_ =	shalt  }
0x74: {  	_ =	shalt  }
0x75: {  	_ =	shalt  }
0x76: {  	_ =	shalt  }
0x77: {  	_ =	shalt  }
0x78: {  	_ =	shalt  }
0x79: {  	_ =	shalt  }
0x7a: {  	_ =	shalt  }
0x7b: {  	_ =	shalt  }
0x7c: {  	_ =	shalt  }
0x7d: {  	_ =	shalt  }
0x7e: {  	_ =	shalt  }
0x7f: {  	_ =	shalt  }
0x80: {  	_ =	shalt  }
0x81: {  	_ =	shalt  }
0x82: {  	_ =	shalt  }
0x83: {  	_ =	shalt  }
0x84: {  	_ =	shalt  }
0x85: {  	_ =	shalt  }
0x86: {  	_ =	shalt  }
0x87: {  	_ =	shalt  }
.Lfunc_end0:
.L_simem_size_0:
called_computation.1_lowered:
.L_overlay_start_0:
0x88: {  	s2 =	sld [smem:$0x3FD9]  }
0x89: {  	s3 =	sld [smem:$0x3FFE];
	_ =	sdelay $0x1  }
0x8a: {  	s1 =	srdreg.scid  }
0x8b: {  	s0 =	sand.u32 $0x1, s1  }
0x8c: {  	s17 =	sshll.u32 s0, $0xA;
	s2 =	sadd.s32 s3, s2  }
0x8d: {  	s2 =	sadd.s32 s2, s17  }
0x8e: {  	[smem:$0x3FC6] =	sst s2  }
0x8f: {  	_ = 	snop  }
0x90: {  	s2 =	sld [smem:$0x3FD0];
	(tm) =	ssettm $0x1  }
0x91: {  	s18 =	sld [smem:$0x3FFB];
	_ =	sdelay $0x3  }
0x92: {  	_ =	strace s18  }
0x93: {  	s3 =	sld [smem:$0x3FFC];
	_ =	sdelay $0x3  }
0x94: {  	_ =	strace s3  }
0x95: {  	s3 =	sld [smem:$0x3FFD];
	_ =	sdelay $0x3  }
0x96: {  	_ =	strace s3  }
0x97: {  	_ =	strace $0x8FFFFFFF  }
0x98: {  	s19 =	sld [smem:$0x3FDB];
	_ =	sdelay $0x1  }
0x99: {  	s4 =	simm.s32 $_scs_section_size  }
0x9a: {  	s5 =	simm.s32 $_size__tile_overlayer_lowered;
	s6 =	simm.s32 $_tile_overlayer_lowered  }
0x9b: {  	s22 =	simm.s32 $0x1BFF;
	s21 =	sshll.u32 s6, $0x1;
	s3 =	sadd.s32 s4, s19  }
0x9c: {  	s7 =	simm.s32 $0x0;
	s20 =	sshll.u32 s5, $0x1;
	s5 =	sadd.s32 s21, s3  }
0x9d: {  	[timem:s7], [sflag:s22] =	dma.local [hbm:s5], s20  }
0x9e: {  	_ =	swait.ge [sflag:s22], s20  }
0x9f: {  	s4 =	ssub.s32 $0x0, s20;
	[sflag:s22] =	ssyncset.done $0x0  }
0xa0: {  	[sflag:s22] =	ssyncadd.s32 s4;
	_ =	sdelay $0x1  }
0xa1: {  	s23 =	simm.s32 $0x1B8B  }
0xa2: {  	_ =	swait.ge [sflag:s23], $0x1  }
0xa3: {  	[sflag:s23] =	ssyncset.done $0x0  }
0xa4: {  	s25 =	simm.s32 $0x1B8E;
	s24 =	sld [smem:$0x3FFE];
	[sflag:s23] =	ssyncadd.s32 $0xFFFFFFFF  }
0xa5: {  	s26 =	simm.s32 $execute0_lowered;
	[smem:$0x3FD2] =	sst s25  }
0xa6: {  	s5 =	sshll.u32 s26, $0x1;
	_ =	strace $0x80000046;
	[dreg:$0x1] =	wrdreg $0xFFFFFFFF  }
0xa7: {  	s28 =	simm.s32 $_size_execute0_lowered;
	s3 =	sadd.s32 s3, s5;
	[dreg:$0x0] =	wrdreg $0x0  }
0xa8: {  	s5 =	sshll.u32 s28, $0x1;
	[dreg:$0x2] =	wrdreg s3  }
0xa9: {  	[dreg:$0x3] =	wrdreg s5  }
0xaa: {  	[dreg:$0x4] =	wrdreg $0xC0  }
0xab: {  	_ =	task [dreg:s7], $0x5FFFF  }
0xac: {  	[dreg:$0x1] =	wrdreg $0xFFFFFFFF  }
0xad: {  	[dreg:$0x0] =	wrdreg $0x60  }
0xae: {  	[dreg:$0x2] =	wrdreg s2  }
0xaf: {  	[dreg:$0x3] =	wrdreg s24  }
0xb0: {  	[dreg:$0x4] =	wrdreg $0x9  }
0xb1: {  	_ =	task.clear_ibuf [dreg:s7], $0x5FFFF;
	_ =	strace $0x90000046  }
0xb2: {  	s29 =	simm.s32 $0x9;
	_ =	strace $0x80000048  }
0xb3: {  	_ =	swait.ge [sflag:s29], $0x1  }
0xb4: {  	[sflag:s29] =	ssyncadd.s32 $0xFFFFFFFF  }
0xb5: {  	_ =	strace $0x90000048  }
0xb6: {  	_ =	sfence  }
0xb7: {  	s30 =	sld [smem:$0x0];
	_ =	sdelay $0x2  }
0xb8: {  	s31 =	sshll.u32 s1, $0xD;
	s1 =	sshrl.u32 s1, $0x2  }
0xb9: {  	s3 =	sand.u32 $0x4000, s31;
	s1 =	sadd.s32 s1, s30  }
0xba: {  	s0 =	sor.u32 s3, s0;
	s1 =	sshll.u32 s1, $0x11  }
0xbb: {  	s0 =	sor.u32 s1, s0  }
0xbc: {  	s0 =	sadd.s32 $0x8F2B, s0  }
0xbd: {  	[sflag:s0] =	ssyncadd.remote.s32 $0x1  }
0xbe: {  	_ =	sfence.sel $0xFFFF  }
0xbf: {  	[dreg:$0x0] =	wrdreg $0xFFFFFFFF;
	(pc) =	sbr.abs _section_cstart, $3  }
0xc0: {  	[dreg:$0x1] =	wrdreg $0xFFFFFFFF  }
0xc1: {  	_ =	task.clear_ibuf [dreg:s7], $0x2FFFF;
	_ =	strace $0x9FFFFFFF  }
0xc2: {  	(tm) =	ssettm $0x7FFFFFFF  }
0xc3: {  	_ =	shalt  }
tec
execute0_lowered:
.L_overlay_start_1:
0x0: {  	(tag) =	ssettag $0x1  }
0x1: {  	s0 =	rddreg [dreg:$0x0]  }
0x2: {  	s1 =	rddreg [dreg:$0x1];
	s2 =	srdreg.scid  }
0x3: {  	s10 =	stileid.u32;
	s4 =	simm.s32 $0x0;
	s12 =	simm.s32 $0x200  }
0x4: {  	s13 =	simm.s32 $0x6400;
	s14 =	simm.s32 $0xA400;
	s7 =	smul.u32 $0xC800, s10  }
0x5: {  	s16 =	simm.s32 $0xE400;
	s19 =	simm.s32 $0x16400;
	s22 =	smul.u32 $0xC8000, s10  }
0x6: {  	s20 =	simm.s32 $0x1;
	s2 =	sand.u32 $0x1, s2;
	s26 =	smul.u32 $0x640000, s10  }
0x7: {  	s3 =	sshll.u32 s10, $0x1;
	[smem:$0x7FF] =	sst s4;
	s9 =	smul.u32 $0x6400, s2  }
0x8: {  	s21 =	sor.u32 s2, s3;
	_ =	strace $0x80000047;
	s24 =	smul.u32 $0x64000, s2  }
0x9: {  	s3 =	sadd.s32 $0xF42E00, s1;
	s6 =	ssub.s32 $0x2, s2;
	s2 =	smul.u32 $0x320000, s2  }
0xa: {  	s1 =	sadd.s32 $0xA00, s1;
	s5 =	smul.u32 $0x6400, s21;
	s8 =	sshrl.u32 s6, $0x1  }
0xb: {  	s4 =	smul.u32 $0x320000, s21;
	s21 =	simm.s32 $0x20;
	s6 =	ssub.s32 s6, s8  }
0xc: {  	s25 =	sadd.s32 s9, s7;
	s29 =	sadd.s32 s2, s26;
	s5 =	sshrl.u32 s5, $0x3  }
0xd: {  	s23 =	smax.u32 s6, $0x1;
	s4 =	sshrl.u32 s4, $0x3;
	s6 =	sshll.u32 s25, $0x4  }
0xe: {  	s2 =	sadd.s32 $0x40000, s29;
	s30 =	sadd.s32 $0x30000, s29;
	s25 =	simm.s32 $0x5  }
0xf: {  	s0 =	sadd.s32 s0, s5;
	[dreg:$0x5] =	wrdreg s23;
	s4 =	sadd.s32 s1, s4  }
0x10: {  	s28 =	sadd.s32 s6, s1;
	s2 =	sshrl.u32 s2, $0x3;
	s23 =	simm.s32 $0x2  }
0x11: {  	[dreg:$0x4] =	wrdreg s0;
	s4 =	sadd.s32 $0x60000, s4;
	s0 =	sadd.s32 s22, s1  }
0x12: {  	s11 =	sadd.s32 s2, s1;
	[dreg:$0x3] =	wrdreg s4;
	s4 =	sadd.s32 $0x2000, s28  }
0x13: {  	s22 =	simm.s32 $0x80;
	s0 =	sadd.s32 s24, s0;
	[dreg:$0x6] =	wrdreg s4  }
0x14: {  	[dreg:$0x7] =	wrdreg s0;
	s0 =	sadd.s32 $0x20000, s29;
	s4 =	sshrl.u32 s30, $0x3  }
0x15: {  	s24 =	simm.s32 $0x3;
	s0 =	sshrl.u32 s0, $0x3;
	s31 =	sadd.s32 s4, s1  }
0x16: {  	[dreg:$0x8] =	wrdreg s31;
	s10 =	sadd.s32 s0, s1;
	s0 =	simm.s32 $0x0  }
.LBB2_1:
0x17: {  	s1 =	simm.s32 $0x0;
	s2 =	rddreg [dreg:$0x4];
	s26 =	simm.s32 $0xB  }
0x18: {  	[tilespmem:s1], [sflag:$0xB] =	stream.linear.gather [hbm4b:s2+s1], $0x6400, $0x38;
	[tilespmem:$0x1A400] =	vst v63  }
0x19: {  	_ =	swait.ge [sflag:s26], $0x6400  }
0x1a: {  	[sflag:s26] =	ssyncset.done $0x0  }
0x1b: {  	[sflag:s26] =	ssyncadd.s32 $0xFFFF9C00  }
0x1c: {  	[tilespmem:s13], [sflag:$0x1] =	stream.indirect.gather [hbm4b:s3+s12], $0x20, s1, s12, $0xb8;
	[tilespmem:$0x1A400] =	vst v63  }
0x1d: {  	_ = 	snop  }
0x1e: {  	[tilespmem:s14], [sflag:$0x2] =	stream.indirect.gather [hbm4b:s3+s12], $0x20, s12, s12, $0xb8;
	[tilespmem:$0x1A400] =	vst v63  }
0x1f: {  	s28 =	simm.s32 $0x400;
	p0 =	por $0x1, $0x1  }
0x20: {  	[tilespmem:s16], [sflag:$0x3] =	stream.indirect.gather [hbm4b:s3+s12], $0x20, s28, s12, $0xb8;
	[tilespmem:$0x1A400] =	vst v63  }
0x21: {  	s29 =	simm.s32 $0x600;
	s30 =	simm.s32 $0x12400;
	s1 =	simm.s32 @!p0 $0xA  }
0x22: {  	[tilespmem:s30], [sflag:$0x4] =	stream.indirect.gather [hbm4b:s3+s12], $0x20, s29, s12, $0xb8;
	[tilespmem:$0x1A400] =	vst v63  }
0x23: {  	_ =	swait.ge @!p0 [sflag:s1], $0x4000  }
0x24: {  	[sflag:s1] =	ssyncset.done @!p0 $0x0  }
0x25: {  	s31 =	simm.s32 $0x800;
	[sflag:s1] =	ssyncadd.s32 @!p0 $0xFFFFC000  }
0x26: {  	[tilespmem:s19], [sflag:$0x5] =	stream.indirect.gather [hbm4b:s3+s12], $0x20, s31, s12, $0xb8;
	[tilespmem:$0x1A400] =	vst v63  }
0x27: {  	_ =	swait.ge [sflag:s20], $0x4000  }
0x28: {  	p0 =	por $0x0, $0x0;
	[sflag:s20] =	ssyncset.done $0x0  }
0x29: {  	s1 =	simm.s32 @!p0 $0x6;
	s7 =	rddreg [dreg:$0x7];
	[sflag:s20] =	ssyncadd.s32 $0xFFFFC000  }
0x2a: {  	[hbm4b:s7+s21] =	stream.strided.scatter [tilespmem:s13], [sflag:$0x6], $0x4000, s22, s21, $0x38;
	[tilespmem:$0x1A400] =	vst v63  }
0x2b: {  	_ =	swait.ge @!p0 [sflag:s1], $0x4000  }
0x2c: {  	s2 =	simm.s32 @!p0 $0xA00;
	[sflag:s1] =	ssyncset.done @!p0 $0x0  }
0x2d: {  	s8 =	simm.s32 @!p0 $0x200;
	s4 =	simm.s32 @!p0 $0x6400;
	[sflag:s1] =	ssyncadd.s32 @!p0 $0xFFFFC000  }
0x2e: {  	[tilespmem:s4], [sflag:$0x1] =	stream.indirect.gather @!p0 [hbm4b:s3+s8], $0x20, s2, s8, $0xb8;
	[tilespmem:$0x1A400] =	vst v63  }
0x2f: {  	_ =	swait.ge [sflag:s23], $0x4000  }
0x30: {  	[sflag:s23] =	ssyncset.done $0x0  }
0x31: {  	s1 =	simm.s32 @!p0 $0x7;
	s6 =	rddreg [dreg:$0x6];
	[sflag:s23] =	ssyncadd.s32 $0xFFFFC000  }
0x32: {  	[hbm4b:s6+s21] =	stream.strided.scatter [tilespmem:s14], [sflag:$0x7], $0x4000, s22, s21, $0x38;
	[tilespmem:$0x1A400] =	vst v63  }
0x33: {  	_ =	swait.ge @!p0 [sflag:s1], $0x4000  }
0x34: {  	[sflag:s1] =	ssyncset.done @!p0 $0x0  }
0x35: {  	s2 =	simm.s32 @!p0 $0xC00;
	s4 =	simm.s32 @!p0 $0xA400;
	[sflag:s1] =	ssyncadd.s32 @!p0 $0xFFFFC000  }
0x36: {  	[tilespmem:s4], [sflag:$0x2] =	stream.indirect.gather @!p0 [hbm4b:s3+s8], $0x20, s2, s8, $0xb8;
	[tilespmem:$0x1A400] =	vst v63  }
0x37: {  	_ =	swait.ge [sflag:s24], $0x4000  }
0x38: {  	[sflag:s24] =	ssyncset.done $0x0  }
0x39: {  	s1 =	simm.s32 @p0 $0x4;
	[sflag:s24] =	ssyncadd.s32 $0xFFFFC000  }
0x3a: {  	[hbm4b:s10+s21] =	stream.strided.scatter [tilespmem:s16], [sflag:$0x8], $0x4000, s22, s21, $0x38;
	[tilespmem:$0x1A400] =	vst v63  }
0x3b: {  	s5 =	simm.s32 @p0 $0x80;
	_ =	swait.ge @p0 [sflag:s1], $0x4000  }
0x3c: {  	s15 =	simm.s32 @!p0 $0x8;
	s4 =	simm.s32 @p0 $0x12400;
	[sflag:s1] =	ssyncset.done @p0 $0x0  }
0x3d: {  	s2 =	rddreg [dreg:$0x3];
	[sflag:s1] =	ssyncadd.s32 @p0 $0xFFFFC000;
	s1 =	simm.s32 @p0 $0x20  }
0x3e: {  	[hbm4b:s2+s1] =	stream.strided.scatter @p0 [tilespmem:s4], [sflag:$0x9], $0x4000, s5, s1, $0x38;
	[tilespmem:$0x1A400] =	vst v63  }
0x3f: {  	_ =	swait.ge @!p0 [sflag:s15], $0x4000  }
0x40: {  	s1 =	simm.s32 @!p0 $0xE00;
	[sflag:s15] =	ssyncset.done @!p0 $0x0  }
0x41: {  	s2 =	simm.s32 @!p0 $0xE400;
	s4 =	simm.s32 @!p0 $0x4;
	[sflag:s15] =	ssyncadd.s32 @!p0 $0xFFFFC000  }
0x42: {  	[tilespmem:s2], [sflag:$0x3] =	stream.indirect.gather @!p0 [hbm4b:s3+s8], $0x20, s1, s8, $0xb8;
	[tilespmem:$0x1A400] =	vst v63  }
0x43: {  	s17 =	simm.s32 @!p0 $0x9;
	_ =	swait.ge @!p0 [sflag:s4], $0x4000  }
0x44: {  	s5 =	simm.s32 @!p0 $0x80;
	s1 =	simm.s32 @!p0 $0x12400;
	[sflag:s4] =	ssyncset.done @!p0 $0x0  }
0x45: {  	s2 =	simm.s32 @!p0 $0x20;
	s9 =	rddreg [dreg:$0x8];
	[sflag:s4] =	ssyncadd.s32 @!p0 $0xFFFFC000  }
0x46: {  	[hbm4b:s9+s2] =	stream.strided.scatter @!p0 [tilespmem:s1], [sflag:$0x9], $0x4000, s5, s2, $0x38;
	[tilespmem:$0x1A400] =	vst v63  }
0x47: {  	p1 =	por $0x0, $0x0;
	_ =	swait.ge @!p0 [sflag:s17], $0x4000  }
0x48: {  	s18 =	sadd.s32 $0xA000, s6;
	s4 =	simm.s32 $0x5000;
	[sflag:s17] =	ssyncset.done @!p0 $0x0  }
0x49: {  	s15 =	sadd.s32 $0xA000, s9;
	s2 =	simm.s32 @!p0 $0x1000;
	[sflag:s17] =	ssyncadd.s32 @!p0 $0xFFFFC000  }
0x4a: {  	[tilespmem:s1], [sflag:$0x4] =	stream.indirect.gather @!p0 [hbm4b:s3+s8], $0x20, s2, s8, $0xb8;
	[tilespmem:$0x1A400] =	vst v63  }
0x4b: {  	s5 =	simm.s32 $0x2800;
	s17 =	sadd.s32 $0xA000, s10;
	s2 =	sadd.s32 $0xA000, s7  }
0x4c: {  	s1 =	sadd.s32 $0xA000, s11;
	s8 =	smov.u32 s11;
	_ =	swait.ge [sflag:s25], $0x4000  }
.LBB2_2:
0x4d: {  	[sflag:s25] =	ssyncset.done $0x0  }
0x4e: {  	s26 =	simm.s32 @!p1 $0xA;
	[sflag:s25] =	ssyncadd.s32 $0xFFFFC000  }
0x4f: {  	[hbm4b:s8+s21] =	stream.strided.scatter [tilespmem:s19], [sflag:$0xA], $0x4000, s22, s21, $0x38;
	[tilespmem:$0x1A400] =	vst v63  }
0x50: {  	_ =	swait.ge @!p1 [sflag:s26], $0x4000  }
0x51: {  	s28 =	sshra.s32 s5, $0x2;
	[sflag:s26] =	ssyncset.done @!p1 $0x0  }
0x52: {  	s28 =	sadd.s32 $0x800, s28;
	[sflag:s26] =	ssyncadd.s32 @!p1 $0xFFFFC000  }
0x53: {  	[tilespmem:s19], [sflag:$0x5] =	stream.indirect.gather [hbm4b:s3+s12], $0x20, s28, s12, $0xb8;
	[tilespmem:$0x1A400] =	vst v63  }
0x54: {  	_ =	swait.ge [sflag:s20], $0x4000  }
0x55: {  	p1 =	seq.s32 s5, $0x16800;
	[sflag:s20] =	ssyncset.done $0x0  }
0x56: {  	s28 =	simm.s32 @!p1 $0x6;
	[sflag:s20] =	ssyncadd.s32 $0xFFFFC000  }
0x57: {  	[hbm4b:s2+s21] =	stream.strided.scatter [tilespmem:s13], [sflag:$0x6], $0x4000, s22, s21, $0x38;
	[tilespmem:$0x1A400] =	vst v63  }
0x58: {  	_ =	swait.ge @!p1 [sflag:s28], $0x4000  }
0x59: {  	s5 =	sshra.s32 @!p1 s5, $0x2;
	s26 =	simm.s32 @!p1 $0x200;
	[sflag:s28] =	ssyncset.done @!p1 $0x0  }
0x5a: {  	s6 =	simm.s32 @!p1 $0x6400;
	s30 =	sadd.s32 @!p1 $0xA00, s5;
	[sflag:s28] =	ssyncadd.s32 @!p1 $0xFFFFC000  }
0x5b: {  	[tilespmem:s6], [sflag:$0x1] =	stream.indirect.gather @!p1 [hbm4b:s3+s26], $0x20, s30, s26, $0xb8;
	[tilespmem:$0x1A400] =	vst v63  }
0x5c: {  	_ =	swait.ge [sflag:s23], $0x4000  }
0x5d: {  	[sflag:s23] =	ssyncset.done $0x0  }
0x5e: {  	s6 =	simm.s32 @!p1 $0x7;
	[sflag:s23] =	ssyncadd.s32 $0xFFFFC000  }
0x5f: {  	[hbm4b:s18+s21] =	stream.strided.scatter [tilespmem:s14], [sflag:$0x7], $0x4000, s22, s21, $0x38;
	[tilespmem:$0x1A400] =	vst v63  }
0x60: {  	s29 =	smov.u32 s4;
	s31 =	sadd.s32 @!p1 $0xC00, s5;
	_ =	swait.ge @!p1 [sflag:s6], $0x4000  }
0x61: {  	s7 =	sadd.s32 @!p1 $0xE00, s5;
	s28 =	sadd.s32 @!p1 $0x1000, s5;
	[sflag:s6] =	ssyncset.done @!p1 $0x0  }
0x62: {  	s5 =	smov.u32 s29;
	s29 =	simm.s32 @!p1 $0xA400;
	[sflag:s6] =	ssyncadd.s32 @!p1 $0xFFFFC000  }
0x63: {  	[tilespmem:s29], [sflag:$0x2] =	stream.indirect.gather @!p1 [hbm4b:s3+s26], $0x20, s31, s26, $0xb8;
	[tilespmem:$0x1A400] =	vst v63  }
0x64: {  	_ =	swait.ge [sflag:s24], $0x4000  }
0x65: {  	[sflag:s24] =	ssyncset.done $0x0  }
0x66: {  	s6 =	simm.s32 @p1 $0x4;
	[sflag:s24] =	ssyncadd.s32 $0xFFFFC000  }
0x67: {  	[hbm4b:s17+s21] =	stream.strided.scatter [tilespmem:s16], [sflag:$0x8], $0x4000, s22, s21, $0x38;
	[tilespmem:$0x1A400] =	vst v63  }
0x68: {  	s9 =	simm.s32 @!p1 $0x8;
	_ =	swait.ge @p1 [sflag:s6], $0x4000  }
0x69: {  	s29 =	simm.s32 @p1 $0x12400;
	s31 =	simm.s32 @p1 $0x80;
	[sflag:s6] =	ssyncset.done @p1 $0x0  }
0x6a: {  	s30 =	rddreg [dreg:$0x3];
	[sflag:s6] =	ssyncadd.s32 @p1 $0xFFFFC000;
	s6 =	simm.s32 @p1 $0x20  }
0x6b: {  	[hbm4b:s30+s6] =	stream.strided.scatter @p1 [tilespmem:s29], [sflag:$0x9], $0x4000, s31, s6, $0x38;
	[tilespmem:$0x1A400] =	vst v63  }
0x6c: {  	_ =	swait.ge @!p1 [sflag:s9], $0x4000  }
0x6d: {  	s4 =	sadd.s32 $0x2800, s4;
	[sflag:s9] =	ssyncset.done @!p1 $0x0  }
0x6e: {  	s6 =	simm.s32 @!p1 $0xE400;
	[sflag:s9] =	ssyncadd.s32 @!p1 $0xFFFFC000;
	s9 =	simm.s32 @!p1 $0x4  }
0x6f: {  	[tilespmem:s6], [sflag:$0x3] =	stream.indirect.gather @!p1 [hbm4b:s3+s26], $0x20, s7, s26, $0xb8;
	[tilespmem:$0x1A400] =	vst v63  }
0x70: {  	p0 =	sne.s32 s4, $0x19000;
	_ =	swait.ge @!p1 [sflag:s9], $0x4000  }
0x71: {  	s29 =	simm.s32 @!p1 $0x80;
	s6 =	simm.s32 @!p1 $0x12400;
	[sflag:s9] =	ssyncset.done @!p1 $0x0  }
0x72: {  	s7 =	simm.s32 @!p1 $0x20;
	[sflag:s9] =	ssyncadd.s32 @!p1 $0xFFFFC000;
	s9 =	simm.s32 @!p1 $0x9  }
0x73: {  	[hbm4b:s15+s7] =	stream.strided.scatter @!p1 [tilespmem:s6], [sflag:$0x9], $0x4000, s29, s7, $0x38;
	[tilespmem:$0x1A400] =	vst v63  }
.Ltmp0:
0x74: {  	s8 =	smov.u32 s1;
	_ =	swait.ge @!p1 [sflag:s9], $0x4000;
	(pc) =	sbr.rel @p0 .LBB2_2-.Ltmp0, $4  }
0x75: {  	s1 =	sadd.s32 $0xA000, s1;
	s2 =	sadd.s32 $0xA000, s2;
	[sflag:s9] =	ssyncset.done @!p1 $0x0  }
0x76: {  	s18 =	sadd.s32 $0xA000, s18;
	s17 =	sadd.s32 $0xA000, s17;
	[sflag:s9] =	ssyncadd.s32 @!p1 $0xFFFFC000  }
0x77: {  	[tilespmem:s6], [sflag:$0x4] =	stream.indirect.gather @!p1 [hbm4b:s3+s26], $0x20, s28, s26, $0xb8;
	[tilespmem:$0x1A400] =	vst v63  }
0x78: {  	s15 =	sadd.s32 $0xA000, s15;
	p1 =	seq.s32 s5, $0x0;
	_ =	swait.ge [sflag:s25], $0x4000  }
0x79: {  	[sflag:s25] =	ssyncset.done $0x0  }
0x7a: {  	s4 =	simm.s32 @!p1 $0xA;
	[sflag:s25] =	ssyncadd.s32 $0xFFFFC000  }
0x7b: {  	[hbm4b:s8+s21] =	stream.strided.scatter [tilespmem:s19], [sflag:$0xA], $0x4000, s22, s21, $0x38;
	[tilespmem:$0x1A400] =	vst v63  }
0x7c: {  	_ =	swait.ge @!p1 [sflag:s4], $0x4000  }
0x7d: {  	s6 =	sshra.s32 s5, $0x2;
	[sflag:s4] =	ssyncset.done @!p1 $0x0  }
0x7e: {  	s6 =	sadd.s32 $0x800, s6;
	[sflag:s4] =	ssyncadd.s32 @!p1 $0xFFFFC000  }
0x7f: {  	[tilespmem:s19], [sflag:$0x5] =	stream.indirect.gather [hbm4b:s3+s12], $0x20, s6, s12, $0xb8;
	[tilespmem:$0x1A400] =	vst v63  }
0x80: {  	_ =	swait.ge [sflag:s20], $0x4000  }
0x81: {  	p0 =	seq.s32 s5, $0x16800;
	[sflag:s20] =	ssyncset.done $0x0  }
0x82: {  	s4 =	simm.s32 @!p0 $0x6;
	[sflag:s20] =	ssyncadd.s32 $0xFFFFC000  }
0x83: {  	[hbm4b:s2+s21] =	stream.strided.scatter [tilespmem:s13], [sflag:$0x6], $0x4000, s22, s21, $0x38;
	[tilespmem:$0x1A400] =	vst v63  }
0x84: {  	_ =	swait.ge @!p0 [sflag:s4], $0x4000  }
0x85: {  	s6 =	simm.s32 @!p0 $0x200;
	s2 =	sshra.s32 @!p0 s5, $0x2;
	[sflag:s4] =	ssyncset.done @!p0 $0x0  }
0x86: {  	s5 =	sadd.s32 @!p0 $0xA00, s2;
	[sflag:s4] =	ssyncadd.s32 @!p0 $0xFFFFC000;
	s4 =	simm.s32 @!p0 $0x6400  }
0x87: {  	[tilespmem:s4], [sflag:$0x1] =	stream.indirect.gather @!p0 [hbm4b:s3+s6], $0x20, s5, s6, $0xb8;
	[tilespmem:$0x1A400] =	vst v63  }
0x88: {  	_ =	swait.ge [sflag:s23], $0x4000  }
0x89: {  	[sflag:s23] =	ssyncset.done $0x0  }
0x8a: {  	s4 =	simm.s32 @!p0 $0x7;
	[sflag:s23] =	ssyncadd.s32 $0xFFFFC000  }
0x8b: {  	[hbm4b:s18+s21] =	stream.strided.scatter [tilespmem:s14], [sflag:$0x7], $0x4000, s22, s21, $0x38;
	[tilespmem:$0x1A400] =	vst v63  }
0x8c: {  	_ =	swait.ge @!p0 [sflag:s4], $0x4000  }
0x8d: {  	[sflag:s4] =	ssyncset.done @!p0 $0x0  }
0x8e: {  	s7 =	simm.s32 @!p0 $0xA400;
	s5 =	sadd.s32 @!p0 $0xC00, s2;
	[sflag:s4] =	ssyncadd.s32 @!p0 $0xFFFFC000  }
0x8f: {  	[tilespmem:s7], [sflag:$0x2] =	stream.indirect.gather @!p0 [hbm4b:s3+s6], $0x20, s5, s6, $0xb8;
	[tilespmem:$0x1A400] =	vst v63  }
0x90: {  	_ =	swait.ge [sflag:s24], $0x4000  }
0x91: {  	[sflag:s24] =	ssyncset.done $0x0  }
0x92: {  	s4 =	simm.s32 @p0 $0x4;
	[sflag:s24] =	ssyncadd.s32 $0xFFFFC000  }
0x93: {  	[hbm4b:s17+s21] =	stream.strided.scatter [tilespmem:s16], [sflag:$0x8], $0x4000, s22, s21, $0x38;
	[tilespmem:$0x1A400] =	vst v63  }
0x94: {  	_ =	swait.ge @p0 [sflag:s4], $0x4000  }
0x95: {  	s8 =	simm.s32 @p0 $0x80;
	s7 =	simm.s32 @p0 $0x12400;
	[sflag:s4] =	ssyncset.done @p0 $0x0  }
0x96: {  	s5 =	rddreg [dreg:$0x3];
	[sflag:s4] =	ssyncadd.s32 @p0 $0xFFFFC000;
	s4 =	simm.s32 @p0 $0x20  }
0x97: {  	[hbm4b:s5+s4] =	stream.strided.scatter @p0 [tilespmem:s7], [sflag:$0x9], $0x4000, s8, s4, $0x38;
	[tilespmem:$0x1A400] =	vst v63  }
0x98: {  	s4 =	simm.s32 @!p0 $0x8  }
0x99: {  	_ =	swait.ge @!p0 [sflag:s4], $0x4000  }
0x9a: {  	s5 =	sadd.s32 @!p0 $0xE00, s2;
	[sflag:s4] =	ssyncset.done @!p0 $0x0  }
0x9b: {  	s7 =	simm.s32 @!p0 $0xE400;
	[sflag:s4] =	ssyncadd.s32 @!p0 $0xFFFFC000;
	s4 =	simm.s32 @!p0 $0x4  }
0x9c: {  	[tilespmem:s7], [sflag:$0x3] =	stream.indirect.gather @!p0 [hbm4b:s3+s6], $0x20, s5, s6, $0xb8;
	[tilespmem:$0x1A400] =	vst v63  }
0x9d: {  	_ =	swait.ge @!p0 [sflag:s4], $0x4000  }
0x9e: {  	s5 =	simm.s32 @!p0 $0x12400;
	[sflag:s4] =	ssyncset.done @!p0 $0x0  }
0x9f: {  	s7 =	simm.s32 @!p0 $0x20;
	[sflag:s4] =	ssyncadd.s32 @!p0 $0xFFFFC000;
	s4 =	simm.s32 @!p0 $0x80  }
0xa0: {  	[hbm4b:s15+s7] =	stream.strided.scatter @!p0 [tilespmem:s5], [sflag:$0x9], $0x4000, s4, s7, $0x38;
	[tilespmem:$0x1A400] =	vst v63  }
0xa1: {  	s4 =	simm.s32 @!p0 $0x9  }
0xa2: {  	_ =	swait.ge @!p0 [sflag:s4], $0x4000  }
0xa3: {  	[sflag:s4] =	ssyncset.done @!p0 $0x0  }
0xa4: {  	s2 =	sadd.s32 @!p0 $0x1000, s2;
	[sflag:s4] =	ssyncadd.s32 @!p0 $0xFFFFC000  }
0xa5: {  	[tilespmem:s5], [sflag:$0x4] =	stream.indirect.gather @!p0 [hbm4b:s3+s6], $0x20, s2, s6, $0xb8;
	[tilespmem:$0x1A400] =	vst v63  }
0xa6: {  	_ =	swait.ge [sflag:s25], $0x4000  }
0xa7: {  	[sflag:s25] =	ssyncset.done $0x0  }
0xa8: {  	s18 =	simm.s32 $0x6;
	[sflag:s25] =	ssyncadd.s32 $0xFFFFC000  }
0xa9: {  	[hbm4b:s1+s21] =	stream.strided.scatter [tilespmem:s19], [sflag:$0xA], $0x4000, s22, s21, $0x38;
	[tilespmem:$0x1A400] =	vst v63  }
0xaa: {  	_ =	swait.ge [sflag:s18], $0x4000  }
0xab: {  	[sflag:s18] =	ssyncset.done $0x0  }
0xac: {  	s26 =	simm.s32 $0x7;
	[sflag:s18] =	ssyncadd.s32 $0xFFFFC000  }
0xad: {  	_ =	swait.ge [sflag:s26], $0x4000  }
0xae: {  	[sflag:s26] =	ssyncset.done $0x0  }
0xaf: {  	s28 =	simm.s32 $0x8;
	[sflag:s26] =	ssyncadd.s32 $0xFFFFC000  }
0xb0: {  	_ =	swait.ge [sflag:s28], $0x4000  }
0xb1: {  	[sflag:s28] =	ssyncset.done $0x0  }
0xb2: {  	s29 =	simm.s32 $0x9;
	[sflag:s28] =	ssyncadd.s32 $0xFFFFC000  }
0xb3: {  	_ =	swait.ge [sflag:s29], $0x4000  }
0xb4: {  	[sflag:s29] =	ssyncset.done $0x0  }
0xb5: {  	s30 =	simm.s32 $0xA;
	[sflag:s29] =	ssyncadd.s32 $0xFFFFC000  }
0xb6: {  	_ =	swait.ge [sflag:s30], $0x4000  }
0xb7: {  	s0 =	sadd.s32 $0x1, s0;
	s31 =	rddreg [dreg:$0x5]  }
0xb8: {  	p0 =	sne.s32 s0, s31  }
.Ltmp1:
0xb9: {  	_ = 	snop;
	(pc) =	sbr.rel @p0 .LBB2_1-.Ltmp1, $3  }
0xba: {  	_ =	sdelay $0x1  }
0xbb: {  	[sflag:s30] =	ssyncset.done $0x0  }
0xbc: {  	[sflag:s30] =	ssyncadd.s32 $0xFFFFC000  }
0xbd: {  	_ =	sfence.sel $0x180000  }
0xbe: {  	[bflag:$0x0] =	sbarrier.arrive $0xFFFF  }
0xbf: {  	_ =	strace $0x90000047  }
0xc0: {  	s0 =	stileid.u32;
	[bflag:$0x2] =	sbarrier.arrive $0xFFFF  }
0xc1: {  	p0 =	sne.s32 s0, $0x0;
	s0 =	rddreg [dreg:$0x2]  }
0xc2: {  	s0 =	sadd.s32 @!p0 $0x100000, s0  }
0xc3: {  	[sflag:s0] =	ssyncadd.tile.s32 @!p0 $0x1;
	_ =	shalt  }
.Lfunc_end2:
_tile_overlayer_lowered:
.L_overlay_start_2:
0xc4: {  	(tag) =	ssettag $0x2  }
0xc5: {  	s0 =	rddreg [dreg:$0x0];
	s2 =	stileid.u32  }
0xc6: {  	s1 =	rddreg [dreg:$0x1];
	p0 =	sne.s32 s2, $0x0  }
0xc7: {  	s3 =	rddreg [dreg:$0x2];
	[bflag:$0x3] =	sbarrier.arrive $0xFFFF;
	s2 =	simm.s32 @!p0 $0x1C0B  }
0xc8: {  	[timem:s3], [sflag:s2] =	dma.local @!p0 [hbm:s0], s1  }
0xc9: {  	s0 =	simm.s32 @!p0 $0xB  }
0xca: {  	_ =	swait.ge @!p0 [sflag:s0], s1  }
0xcb: {  	s1 =	ssub.s32 @!p0 $0x0, s1;
	[sflag:s0] =	ssyncset.done @!p0 $0x0  }
0xcc: {  	[sflag:s0] =	ssyncadd.s32 @!p0 s1  }
0xcd: {  	[bflag:$0x3] =	sbarrier.arrive $0xFFFF  }
0xce: {  	_ =	shalt  }

// kernel: sparse-core-data-format-call.cloned.1.call-start
scs
called_computation_lowered:
.L_overlay_start_0:
0x0: {  	s2 =	sld [smem:$0x3FD9]  }
0x1: {  	s3 =	sld [smem:$0x3FFE];
	_ =	sdelay $0x1  }
0x2: {  	s1 =	srdreg.scid  }
0x3: {  	s0 =	sand.u32 $0x1, s1  }
0x4: {  	s18 =	sshll.u32 s0, $0xA;
	s2 =	sadd.s32 s3, s2  }
0x5: {  	s2 =	sadd.s32 s2, s18  }
0x6: {  	[smem:$0x3FC6] =	sst s2  }
0x7: {  	_ = 	snop  }
0x8: {  	s2 =	sld [smem:$0x3FD0];
	(tm) =	ssettm $0x1  }
0x9: {  	s19 =	sld [smem:$0x3FFB];
	_ =	sdelay $0x3  }
0xa: {  	_ =	strace s19  }
0xb: {  	s3 =	sld [smem:$0x3FFC];
	_ =	sdelay $0x3  }
0xc: {  	_ =	strace s3  }
0xd: {  	s3 =	sld [smem:$0x3FFD];
	_ =	sdelay $0x3  }
0xe: {  	_ =	strace s3  }
0xf: {  	_ =	strace $0x8FFFFFFF  }
0x10: {  	s20 =	sld [smem:$0x3FDB];
	_ =	sdelay $0x1  }
0x11: {  	s4 =	simm.s32 $_scs_section_size  }
0x12: {  	s5 =	simm.s32 $_size__tile_overlayer_lowered;
	s6 =	simm.s32 $_tile_overlayer_lowered  }
0x13: {  	s23 =	simm.s32 $0x1BFF;
	s22 =	sshll.u32 s6, $0x1;
	s3 =	sadd.s32 s4, s20  }
0x14: {  	s7 =	simm.s32 $0x0;
	s21 =	sshll.u32 s5, $0x1;
	s5 =	sadd.s32 s22, s3  }
0x15: {  	[timem:s7], [sflag:s23] =	dma.local [hbm:s5], s21  }
0x16: {  	_ =	swait.ge [sflag:s23], s21  }
0x17: {  	s4 =	ssub.s32 $0x0, s21;
	[sflag:s23] =	ssyncset.done $0x0  }
0x18: {  	[sflag:s23] =	ssyncadd.s32 s4;
	_ =	sdelay $0x1  }
0x19: {  	s24 =	simm.s32 $0x1B8B  }
0x1a: {  	_ =	swait.ge [sflag:s24], $0x1  }
0x1b: {  	[sflag:s24] =	ssyncset.done $0x0  }
0x1c: {  	s26 =	simm.s32 $0x1B8E;
	s25 =	sld [smem:$0x3FFE];
	[sflag:s24] =	ssyncadd.s32 $0xFFFFFFFF  }
0x1d: {  	s27 =	simm.s32 $execute0_lowered;
	[smem:$0x3FD2] =	sst s26  }
0x1e: {  	s5 =	sshll.u32 s27, $0x1;
	_ =	strace $0x80000049;
	[dreg:$0x1] =	wrdreg $0xFFFFFFFF  }
0x1f: {  	s28 =	simm.s32 $_size_execute0_lowered;
	s3 =	sadd.s32 s3, s5;
	[dreg:$0x0] =	wrdreg $0x0  }
0x20: {  	s5 =	sshll.u32 s28, $0x1;
	[dreg:$0x2] =	wrdreg s3  }
0x21: {  	[dreg:$0x3] =	wrdreg s5  }
0x22: {  	[dreg:$0x4] =	wrdreg $0xC0  }
0x23: {  	_ =	task [dreg:s7], $0x5FFFF  }
0x24: {  	[dreg:$0x1] =	wrdreg $0xFFFFFFFF  }
0x25: {  	[dreg:$0x0] =	wrdreg $0x60  }
0x26: {  	[dreg:$0x2] =	wrdreg s25  }
0x27: {  	[dreg:$0x3] =	wrdreg s2  }
0x28: {  	[dreg:$0x4] =	wrdreg $0x9  }
0x29: {  	_ =	task.clear_ibuf [dreg:s7], $0x5FFFF;
	_ =	strace $0x90000049  }
0x2a: {  	s29 =	simm.s32 $0x9;
	_ =	strace $0x8000004B  }
0x2b: {  	_ =	swait.ge [sflag:s29], $0x1  }
0x2c: {  	[sflag:s29] =	ssyncadd.s32 $0xFFFFFFFF  }
0x2d: {  	_ =	strace $0x9000004B  }
0x2e: {  	_ =	sfence  }
0x2f: {  	s30 =	sld [smem:$0x0];
	_ =	sdelay $0x2  }
0x30: {  	s31 =	sshll.u32 s1, $0xD;
	s1 =	sshrl.u32 s1, $0x2  }
0x31: {  	s3 =	sand.u32 $0x4000, s31;
	s1 =	sadd.s32 s1, s30  }
0x32: {  	s0 =	sor.u32 s3, s0;
	s1 =	sshll.u32 s1, $0x11  }
0x33: {  	s0 =	sor.u32 s1, s0  }
0x34: {  	s0 =	sadd.s32 $0x8F2B, s0  }
0x35: {  	[sflag:s0] =	ssyncadd.remote.s32 $0x1  }
0x36: {  	_ =	sfence.sel $0xFFFF  }
0x37: {  	[dreg:$0x0] =	wrdreg $0xFFFFFFFF;
	(pc) =	sbr.abs _section_cstart, $3  }
0x38: {  	[dreg:$0x1] =	wrdreg $0xFFFFFFFF  }
0x39: {  	_ =	task.clear_ibuf [dreg:s7], $0x2FFFF;
	_ =	strace $0x9FFFFFFF  }
0x3a: {  	(tm) =	ssettm $0x7FFFFFFF  }
0x3b: {  	_ =	shalt  }
tec
execute0_lowered:
.L_overlay_start_1:
0x0: {  	(tag) =	ssettag $0x1  }
0x1: {  	s0 =	srdreg.scid  }
0x2: {  	s1 =	sshll.u32 s0, $0x4  }
0x3: {  	s0 =	stileid.u32;
	s1 =	sand.u32 $0x10, s1  }
0x4: {  	s1 =	sor.u32 s0, s1  }
0x5: {  	s6 =	rddreg [dreg:$0x0];
	s4 =	simm.s32 $0x1;
	s2 =	sshll.u32 s1, $0x7  }
0x6: {  	s7 =	simm.s32 $0x2;
	s12 =	simm.s32 $0x0;
	s1 =	ssub.s32 $0x1000, s2  }
0x7: {  	s8 =	simm.s32 $0x8000;
	s13 =	simm.s32 $0x0;
	s3 =	sand.u32 $0xF80, s1  }
0x8: {  	s9 =	simm.s32 $0x0;
	s5 =	sshrl.u32 s1, $0xC;
	p0 =	sne.s32 s3, $0x0  }
.Ltmp0:
0x9: {  	s1 =	rddreg [dreg:$0x2];
	s4 =	simm.s32 @!p0 $0x0;
	(pc) =	sbr.rel .LBB1_1-.Ltmp0, $4  }
0xa: {  	s11 =	simm.s32 $0x0;
	s3 =	rddreg [dreg:$0x1];
	s5 =	sadd.s32 s4, s5  }
0xb: {  	_ =	strace $0x8000004A;
	s4 =	simm.s32 $0x1;
	s5 =	smul.u32 $0xC8, s5  }
0xc: {  	s6 =	sadd.s32 $0xA00, s6;
	s10 =	smov.u32 s2;
	[sflag:s4] =	ssyncpa.u1 $0x0  }
0xd: {  	p0 =	por $0x0, $0x0;
	[sflag:s7] =	ssyncpa.u1 $0x0;
	s7 =	sor.u32 $0x1, s5  }
.LBB1_4:
0xe: {  	s16 =	sshll.u32 s13, $0x3;
	s17 =	sand.u32 $0x78, s13  }
0xf: {  	s30 =	sand.u32 $0x3E00, s13;
	s12 =	sshll.u32 s12, $0xE;
	s16 =	sand.u32 $0xC00, s16  }
0x10: {  	s31 =	sand.u32 $0x7, s13;
	s16 =	sor.u32 s17, s16;
	s17 =	sadd.s32 s3, s30  }
0x11: {  	s13 =	sshll.u32 s31, $0x12;
	s16 =	sshrl.u32 s16, $0x3;
	s12 =	sadd.s32 s12, s17  }
0x12: {  	[tilespmem:s15+$0x0 ss:$0x81] =	vst.msk $0xffff, v0;
	s13 =	sor.u32 $0x400, s13;
	s12 =	sadd.s32 s16, s12  }
0x13: {  	[hbm4b:s12+s13] =	stream.strided.scatter [tilespmem:s14], [sflag:$0x2], $0x1000, s8, s13, $0x20;
	[tilespmem:$0x4040] =	vst v63  }
.LBB1_5:
0x14: {  	s14 =	sadd.s32 $0x1, s9  }
0x15: {  	s12 =	sadd.s32 $0x1000, s10;
	s16 =	smov.u32 s10;
	p2 =	sgt.s32 s14, $0xC7  }
0x16: {  	s16 =	smov.u32 @p2 s12  }
0x17: {  	s14 =	simm.s32 @p2 $0x0;
	p2 =	sgt.s32 s16, $0xFFF  }
0x18: {  	s16 =	smov.u32 @p2 s2;
	p2 =	sne.s32 s11, s7  }
.Ltmp1:
0x19: {  	p1 =	slt.u32 s11, $0x2;
	(pc) =	sbr.rel @!p2 .LBB1_6-.Ltmp1, $4  }
0x1a: {  	s15 =	simm.s32 @!p1 $0x2  }
0x1b: {  	s13 =	smov.u32 s10;
	p0 =	por !p0, !p0;
	_ =	swait.ge @!p1 [sflag:s15], $0x1000  }
0x1c: {  	s12 =	smov.u32 s9;
	[sflag:s15] =	ssyncset.done @!p1 $0x0;
	s9 =	smov.u32 s14  }
0x1d: {  	s11 =	sadd.s32 $0x1, s11;
	[sflag:s15] =	ssyncadd.s32 @!p1 $0xFFFFF000;
	s10 =	smov.u32 s16  }
.LBB1_1:
0x1e: {  	p1 =	sge.u32 s11, s5  }
0x1f: {  	s14 =	sand.u32 @!p1 $0x1FFFFFF, s9  }
0x20: {  	s15 =	smulhi.u32 @!p1 $0x147AE15, s14;
	_ =	sdelay $0x1  }
0x21: {  	s15 =	smul.u32 @!p1 $0xC8, s15  }
0x22: {  	s16 =	sxor.u32 @!p1 $0xFFFFFFFF, s11;
	s17 =	smul.u32 @!p1 $0xC80, s10  }
0x23: {  	s31 =	sadd.s32 $0xFFFFFFFF, s11;
	s16 =	sshll.u32 @!p1 s16, $0xC;
	s14 =	ssub.s32 @!p1 s14, s15  }
0x24: {  	s15 =	sand.u32 @!p1 $0x1000, s16;
	s16 =	sadd.s32 @!p1 s6, s17;
	s14 =	sshll.u32 @!p1 s14, $0x4  }
0x25: {  	s17 =	simm.s32 @!p1 $0x6400;
	s14 =	sadd.s32 @!p1 s14, s16;
	s16 =	simm.s32 @!p1 $0x20  }
0x26: {  	[tilespmem:s15], [sflag:$0x1] =	stream.strided.gather @!p1 [hbm4b:s14+s16], $0x1000, s17, s16, $0x38;
	[tilespmem:$0x4040] =	vst v63  }
0x27: {  	p1 =	sge.u32 s31, s5  }
.Ltmp2:
0x28: {  	_ = 	snop;
	(pc) =	sbr.rel @p1 .LBB1_5-.Ltmp2, $1  }
0x29: {  	_ =	sdelay $0x3  }
0x2a: {  	s14 =	simm.s32 $0x1  }
0x2b: {  	_ =	swait.ge [sflag:s4], $0x1000;
	s14 =	simm.s32 @!p0 $0x0  }
0x2c: {  	[sflag:s4] =	ssyncset.done $0x0;
	s15 =	sshll.u32 s14, $0xC  }
0x2d: {  	[sflag:s4] =	ssyncadd.s32 $0xFFFFF000;
	s18 =	sor.u32 $0x10, s15  }
0x2e: {  	s14 =	smul.u32 $0x4080, s14;
	v1 =	vld [tilespmem:s18+$0x0]  }
0x2f: {  	s30 =	sand.u32 $0x1, s11;
	v0 =	vld [tilespmem:s18+$0xFFFFFFF0]  }
0x30: {  	s15 =	smul.u32 $0x4080, s30;
	s14 =	sshrl.u32 s14, $0x2  }
0x31: {  	s16 =	sor.u32 $0x2000, s14  }
0x32: {  	s31 =	sshrl.u32 s15, $0x2;
	s15 =	sadd.s32 $0x0, s16  }
0x33: {  	s17 =	simm.s32 $0x4;
	s18 =	sadd.s32 $0x20, s18;
	s14 =	sor.u32 $0x2000, s31;
	[tilespmem:s15+$0x810 ss:$0x81] =	vst.msk $0xffff, v1  }
.LBB1_3:
0x34: {  	v1 =	vld [tilespmem:s18+$0x0];
	p1 =	sne.s32 s17, $0x1FC;
	[tilespmem:s15+$0x0 ss:$0x81] =	vst.msk $0xffff, v0;
	s15 =	smov.u32 s17;
	s17 =	sadd.s32 $0x4, s17  }
.Ltmp3:
0x35: {  	v0 =	vld [tilespmem:s18+$0xFFFFFFF0];
	(pc) =	sbr.rel @p1 .LBB1_3-.Ltmp3, $4  }
0x36: {  	_ = 	snop  }
0x37: {  	s15 =	sshra.s32 s15, $0x2  }
0x38: {  	s15 =	sadd.s32 s15, s16  }
0x39: {  	s18 =	sadd.s32 $0x20, s18;
	[tilespmem:s15+$0x810 ss:$0x81] =	vst.msk $0xffff, v1  }
.Ltmp4:
0x3a: {  	_ = 	snop;
	(pc) =	sbr.rel .LBB1_4-.Ltmp4, $1  }
0x3b: {  	_ =	sdelay $0x3  }
.LBB1_6:
0x3c: {  	_ =	sfence.sel $0x180000  }
0x3d: {  	s2 =	simm.s32 $0x1;
	[bflag:$0x0] =	sbarrier.arrive $0xFFFF  }
0x3e: {  	s31 =	simm.s32 $0x2;
	[sflag:s2] =	ssyncpa.u1 $0x1  }
0x3f: {  	[sflag:s31] =	ssyncpa.u1 $0x1  }
0x40: {  	p0 =	sne.s32 s0, $0x0;
	_ =	strace $0x9000004A  }
0x41: {  	s0 =	sadd.s32 @!p0 $0x100000, s1;
	[bflag:$0x2] =	sbarrier.arrive $0xFFFF  }
0x42: {  	[sflag:s0] =	ssyncadd.tile.s32 @!p0 $0x1;
	_ =	shalt  }
.Lfunc_end1:
_tile_overlayer_lowered:
.L_overlay_start_2:
0x43: {  	(tag) =	ssettag $0x2  }
0x44: {  	s0 =	rddreg [dreg:$0x0];
	s2 =	stileid.u32  }
0x45: {  	s1 =	rddreg [dreg:$0x1];
	p0 =	sne.s32 s2, $0x0  }
0x46: {  	s3 =	rddreg [dreg:$0x2];
	[bflag:$0x3] =	sbarrier.arrive $0xFFFF;
	s2 =	simm.s32 @!p0 $0x1C01  }
0x47: {  	[timem:s3], [sflag:s2] =	dma.local @!p0 [hbm:s0], s1  }
0x48: {  	s0 =	simm.s32 @!p0 $0x1  }
0x49: {  	_ =	swait.ge @!p0 [sflag:s0], s1  }
0x4a: {  	s1 =	ssub.s32 @!p0 $0x0, s1;
	[sflag:s0] =	ssyncset.done @!p0 $0x0  }
0x4b: {  	[sflag:s0] =	ssyncadd.s32 @!p0 s1  }
0x4c: {  	[bflag:$0x3] =	sbarrier.arrive $0xFFFF  }
0x4d: {  	_ =	shalt  }

</sc_bundles>
